<compile_context>
chip_gen: v7x
topology: tpu7x:2x2x1
jax: 0.10.2.dev20260603
libtpu: 0.0.44.dev20260713+nightly
codegen_flags: <defaults>
</compile_context>

<pallas_src>
import functools

import jax
import jax.numpy as jnp
from jax import lax
from jax.experimental import pallas as pl
from jax.experimental.pallas import tpu as pltpu
from jax.experimental.pallas import tpu_sc as plsc

_D = 64
_B = 16384 * 50
_NC = 2
_NS = 16
_NW = _NC * _NS
_BPW = _B // _NW
_K = 128
_CHUNKS = _BPW // _K
_S = 8
_NPASS = _CHUNKS // _S

_mesh = plsc.VectorSubcoreMesh(core_axis_name="c", subcore_axis_name="s")


@functools.partial(
    pl.kernel,
    mesh=_mesh,
    out_type=jax.ShapeDtypeStruct((_B, _D), jnp.float32),
    scratch_types=[
        pltpu.VMEM((_BPW,), jnp.int32),
        pltpu.VMEM((_S, _K, _D), jnp.float32),
        pltpu.SemaphoreType.DMA((_S,)),
        pltpu.SemaphoreType.DMA((_S,)),
    ],
    compiler_params=pltpu.CompilerParams(use_tc_tiling_on_sc=False),
)
def _gather_kernel(idx_hbm, table_hbm, out_hbm, idx_v, rows_v, sem_g, sem_o):
    wid = lax.axis_index("s") * _NC + lax.axis_index("c")
    base = wid * _BPW
    pltpu.sync_copy(idx_hbm.at[pl.ds(base, _BPW)], idx_v)

    for b in range(_S):
        pltpu.async_copy(
            table_hbm.at[idx_v.at[pl.ds(b * _K, _K)]],
            rows_v.at[b],
            sem_g.at[b],
        )

    def ring_pass(p, carry):
        off0 = p * _S * _K
        for b in range(_S):
            pltpu.make_async_copy(
                table_hbm.at[idx_v.at[pl.ds(b * _K, _K)]],
                rows_v.at[b],
                sem_g.at[b],
            ).wait()
            pltpu.async_copy(
                rows_v.at[b],
                out_hbm.at[pl.ds(base + off0 + b * _K, _K)],
                sem_o.at[b],
            )
        for b in range(_S):
            pltpu.make_async_copy(
                rows_v.at[b],
                out_hbm.at[pl.ds(base + off0 + b * _K, _K)],
                sem_o.at[b],
            ).wait()

            @pl.when(p + 1 < _NPASS)
            def _():
                pltpu.async_copy(
                    table_hbm.at[idx_v.at[pl.ds(off0 + (_S + b) * _K, _K)]],
                    rows_v.at[b],
                    sem_g.at[b],
                )

        return carry

    lax.fori_loop(0, _NPASS, ring_pass, 0)


def kernel(indices, table):
    idx_flat = indices.reshape(-1)
    out = _gather_kernel(idx_flat, table)
    return out.reshape(indices.shape[0], indices.shape[1], _D)

# --- scband reference (transcript-rebuilt; emitter-appended) ---
"""Pipeline reference for scband-word-embedding-3195455668241 (READ-ONLY COPY).

The authoritative reference and input builder live on the scoring server;
editing this copy changes nothing except your own understanding.
"""

import jax, jax.numpy as jnp
import numpy as np

VOCAB = 1000000
EMBED_DIM = 64
BATCH = 16384
HIST_LEN = 50


def setup_inputs(seed: int = 0) -> dict:
    key = jax.random.key(seed)
    k_idx, k_tab = jax.random.split(key)
    indices = jax.random.randint(k_idx, (BATCH, HIST_LEN), 0, VOCAB, dtype=jnp.int32)
    # Trainable embedding table (equivalent to nn.Embedding weight initialized
    # from word_emb_val in the original WordEmbedding module).
    table = jax.random.normal(k_tab, (VOCAB, EMBED_DIM), dtype=jnp.float32) * 0.02
    return {"indices": indices, "table": table}


def reference(indices, table):
    # Faithful core of WordEmbedding in trainable mode: self.embedding(indices)
    # i.e. a row-gather from the embedding weight matrix.
    out = jnp.take(table, indices, axis=0)  # [B, L, N_word]
    return out

if __name__ == "__main__":
    import jax
    _d = setup_inputs()
    print(jax.jit(kernel)(*tuple(_d.values())))

</pallas_src>

<mosaic_0001>
#map = affine_map<(d0, d1) -> (0)>
#map1 = affine_map<(d0, d1) -> (0, 0)>
module attributes {stable_mosaic.version = 14 : i64} {
  func.func @_gather_kernel(%arg0: i32, %arg1: i32, %arg2: memref<819200xi32, #tpu.memory_space<hbm>>, %arg3: memref<1000000x64xf32, #tpu.memory_space<hbm>>, %arg4: memref<819200x64xf32, #tpu.memory_space<hbm>>, %arg5: memref<25600xi32, #tpu.memory_space<vmem>>, %arg6: memref<8x128x64xf32, #tpu.memory_space<vmem>>, %arg7: memref<8x!tpu.dma_semaphore, #tpu.memory_space<semaphore_mem>>, %arg8: memref<8x!tpu.dma_semaphore, #tpu.memory_space<semaphore_mem>>) attributes {dimension_semantics = [#tpu.dimension_semantics<core_parallel>, #tpu.dimension_semantics<subcore_parallel>], iteration_bounds = array<i64: 2, 16>, scalar_prefetch = 0 : i64, scratch_operands = 4 : i64, tpu.core_type = #tpu.core_type<sc_vector_subcore>, window_params = [{transform_indices = #map}, {transform_indices = #map1}, {transform_indices = #map1}]} {
    %mul3A = arith.constant 2 : i32
    %mul3A_0 = arith.muli %arg1, %mul3A : i32
    %add3A = arith.addi %mul3A_0, %arg0 : i32
    %mul3A_1 = arith.constant 25600 : i32
    %mul3A_2 = arith.muli %add3A, %mul3A_1 : i32
    "tpu.region"() ({
      %run_scoped3A = tpu.sem_alloc : memref<!tpu.dma_semaphore, #tpu.memory_space<semaphore_mem>>
      %dma_start3A_111 = tpu.memref_slice %arg2[%mul3A_2] : memref<819200xi32, #tpu.memory_space<hbm>> -> memref<25600xi32, #tpu.memory_space<hbm>>
      %dma_start3A_112 = tpu.memref_slice %arg2[%mul3A_2] : memref<819200xi32, #tpu.memory_space<hbm>> -> memref<25600xi32, #tpu.memory_space<hbm>>
      tpu.enqueue_dma source(%dma_start3A_112 : memref<25600xi32, #tpu.memory_space<hbm>>) target(%arg5 : memref<25600xi32, #tpu.memory_space<vmem>>) target_semaphore(%run_scoped3A : memref<!tpu.dma_semaphore, #tpu.memory_space<semaphore_mem>>)
      %dma_wait3A = tpu.memref_slice %arg2[%mul3A_2] : memref<819200xi32, #tpu.memory_space<hbm>> -> memref<25600xi32, #tpu.memory_space<hbm>>
      %dma_wait3A_113 = tpu.memref_slice %arg2[%mul3A_2] : memref<819200xi32, #tpu.memory_space<hbm>> -> memref<25600xi32, #tpu.memory_space<hbm>>
      tpu.wait_dma2 semaphore(%run_scoped3A : memref<!tpu.dma_semaphore, #tpu.memory_space<semaphore_mem>>) src(%dma_wait3A_113 : memref<25600xi32, #tpu.memory_space<hbm>>) dst(%arg5 : memref<25600xi32, #tpu.memory_space<vmem>>)
      tpu.yield
    }) : () -> ()
    %dma_start3A = arith.constant 0 : i32
    %dma_start3A_3 = arith.constant 0 : i32
    %dma_start3A_4 = arith.constant 0 : i32
    %dma_start3A_5 = arith.constant 0 : i32
    %dma_start3A_6 = tpu.memref_slice %arg6[%dma_start3A, %dma_start3A_4, %dma_start3A_5] : memref<8x128x64xf32, #tpu.memory_space<vmem>> -> memref<1x128x64xf32, #tpu.memory_space<vmem>>
    %dma_start3A_7 = tpu.memref_squeeze %dma_start3A_6 : memref<1x128x64xf32, #tpu.memory_space<vmem>> -> memref<128x64xf32, #tpu.memory_space<vmem>>
    %dma_start3A_8 = arith.constant 0 : i32
    %dma_start3A_9 = tpu.memref_slice %arg5[%dma_start3A_8] : memref<25600xi32, #tpu.memory_space<vmem>> -> memref<128xi32, #tpu.memory_space<vmem>>
    %dma_start3A_10 = arith.constant 0 : i32
    %dma_start3A_11 = arith.constant 0 : i32
    %dma_start3A_12 = tpu.memref_slice %arg3[%dma_start3A_10, %dma_start3A_11] : memref<1000000x64xf32, #tpu.memory_space<hbm>> -> memref<1000000x64xf32, #tpu.memory_space<hbm>>
    %dma_start3A_13 = tpu.memref_slice %arg7[%dma_start3A_3] : memref<8x!tpu.dma_semaphore, #tpu.memory_space<semaphore_mem>> -> memref<1x!tpu.dma_semaphore, #tpu.memory_space<semaphore_mem>>
    %dma_start3A_14 = tpu.memref_squeeze %dma_start3A_13 : memref<1x!tpu.dma_semaphore, #tpu.memory_space<semaphore_mem>> -> memref<!tpu.dma_semaphore, #tpu.memory_space<semaphore_mem>>
    tpu.enqueue_indirect_dma source(%dma_start3A_12 : memref<1000000x64xf32, #tpu.memory_space<hbm>>) target(%dma_start3A_7 : memref<128x64xf32, #tpu.memory_space<vmem>>) offsets(%dma_start3A_9 : memref<128xi32, #tpu.memory_space<vmem>>) semaphore(%dma_start3A_14 : memref<!tpu.dma_semaphore, #tpu.memory_space<semaphore_mem>>)
    %dma_start3A_15 = arith.constant 1 : i32
    %dma_start3A_16 = arith.constant 1 : i32
    %dma_start3A_17 = arith.constant 0 : i32
    %dma_start3A_18 = arith.constant 0 : i32
    %dma_start3A_19 = tpu.memref_slice %arg6[%dma_start3A_15, %dma_start3A_17, %dma_start3A_18] : memref<8x128x64xf32, #tpu.memory_space<vmem>> -> memref<1x128x64xf32, #tpu.memory_space<vmem>>
    %dma_start3A_20 = tpu.memref_squeeze %dma_start3A_19 : memref<1x128x64xf32, #tpu.memory_space<vmem>> -> memref<128x64xf32, #tpu.memory_space<vmem>>
    %dma_start3A_21 = arith.constant 128 : i32
    %dma_start3A_22 = tpu.memref_slice %arg5[%dma_start3A_21] : memref<25600xi32, #tpu.memory_space<vmem>> -> memref<128xi32, #tpu.memory_space<vmem>>
    %dma_start3A_23 = arith.constant 0 : i32
    %dma_start3A_24 = arith.constant 0 : i32
    %dma_start3A_25 = tpu.memref_slice %arg3[%dma_start3A_23, %dma_start3A_24] : memref<1000000x64xf32, #tpu.memory_space<hbm>> -> memref<1000000x64xf32, #tpu.memory_space<hbm>>
    %dma_start3A_26 = tpu.memref_slice %arg7[%dma_start3A_16] : memref<8x!tpu.dma_semaphore, #tpu.memory_space<semaphore_mem>> -> memref<1x!tpu.dma_semaphore, #tpu.memory_space<semaphore_mem>>
    %dma_start3A_27 = tpu.memref_squeeze %dma_start3A_26 : memref<1x!tpu.dma_semaphore, #tpu.memory_space<semaphore_mem>> -> memref<!tpu.dma_semaphore, #tpu.memory_space<semaphore_mem>>
    tpu.enqueue_indirect_dma source(%dma_start3A_25 : memref<1000000x64xf32, #tpu.memory_space<hbm>>) target(%dma_start3A_20 : memref<128x64xf32, #tpu.memory_space<vmem>>) offsets(%dma_start3A_22 : memref<128xi32, #tpu.memory_space<vmem>>) semaphore(%dma_start3A_27 : memref<!tpu.dma_semaphore, #tpu.memory_space<semaphore_mem>>)
    %dma_start3A_28 = arith.constant 2 : i32
    %dma_start3A_29 = arith.constant 2 : i32
    %dma_start3A_30 = arith.constant 0 : i32
    %dma_start3A_31 = arith.constant 0 : i32
    %dma_start3A_32 = tpu.memref_slice %arg6[%dma_start3A_28, %dma_start3A_30, %dma_start3A_31] : memref<8x128x64xf32, #tpu.memory_space<vmem>> -> memref<1x128x64xf32, #tpu.memory_space<vmem>>
    %dma_start3A_33 = tpu.memref_squeeze %dma_start3A_32 : memref<1x128x64xf32, #tpu.memory_space<vmem>> -> memref<128x64xf32, #tpu.memory_space<vmem>>
    %dma_start3A_34 = arith.constant 256 : i32
    %dma_start3A_35 = tpu.memref_slice %arg5[%dma_start3A_34] : memref<25600xi32, #tpu.memory_space<vmem>> -> memref<128xi32, #tpu.memory_space<vmem>>
    %dma_start3A_36 = arith.constant 0 : i32
    %dma_start3A_37 = arith.constant 0 : i32
    %dma_start3A_38 = tpu.memref_slice %arg3[%dma_start3A_36, %dma_start3A_37] : memref<1000000x64xf32, #tpu.memory_space<hbm>> -> memref<1000000x64xf32, #tpu.memory_space<hbm>>
    %dma_start3A_39 = tpu.memref_slice %arg7[%dma_start3A_29] : memref<8x!tpu.dma_semaphore, #tpu.memory_space<semaphore_mem>> -> memref<1x!tpu.dma_semaphore, #tpu.memory_space<semaphore_mem>>
    %dma_start3A_40 = tpu.memref_squeeze %dma_start3A_39 : memref<1x!tpu.dma_semaphore, #tpu.memory_space<semaphore_mem>> -> memref<!tpu.dma_semaphore, #tpu.memory_space<semaphore_mem>>
    tpu.enqueue_indirect_dma source(%dma_start3A_38 : memref<1000000x64xf32, #tpu.memory_space<hbm>>) target(%dma_start3A_33 : memref<128x64xf32, #tpu.memory_space<vmem>>) offsets(%dma_start3A_35 : memref<128xi32, #tpu.memory_space<vmem>>) semaphore(%dma_start3A_40 : memref<!tpu.dma_semaphore, #tpu.memory_space<semaphore_mem>>)
    %dma_start3A_41 = arith.constant 3 : i32
    %dma_start3A_42 = arith.constant 3 : i32
    %dma_start3A_43 = arith.constant 0 : i32
    %dma_start3A_44 = arith.constant 0 : i32
    %dma_start3A_45 = tpu.memref_slice %arg6[%dma_start3A_41, %dma_start3A_43, %dma_start3A_44] : memref<8x128x64xf32, #tpu.memory_space<vmem>> -> memref<1x128x64xf32, #tpu.memory_space<vmem>>
    %dma_start3A_46 = tpu.memref_squeeze %dma_start3A_45 : memref<1x128x64xf32, #tpu.memory_space<vmem>> -> memref<128x64xf32, #tpu.memory_space<vmem>>
    %dma_start3A_47 = arith.constant 384 : i32
    %dma_start3A_48 = tpu.memref_slice %arg5[%dma_start3A_47] : memref<25600xi32, #tpu.memory_space<vmem>> -> memref<128xi32, #tpu.memory_space<vmem>>
    %dma_start3A_49 = arith.constant 0 : i32
    %dma_start3A_50 = arith.constant 0 : i32
    %dma_start3A_51 = tpu.memref_slice %arg3[%dma_start3A_49, %dma_start3A_50] : memref<1000000x64xf32, #tpu.memory_space<hbm>> -> memref<1000000x64xf32, #tpu.memory_space<hbm>>
    %dma_start3A_52 = tpu.memref_slice %arg7[%dma_start3A_42] : memref<8x!tpu.dma_semaphore, #tpu.memory_space<semaphore_mem>> -> memref<1x!tpu.dma_semaphore, #tpu.memory_space<semaphore_mem>>
    %dma_start3A_53 = tpu.memref_squeeze %dma_start3A_52 : memref<1x!tpu.dma_semaphore, #tpu.memory_space<semaphore_mem>> -> memref<!tpu.dma_semaphore, #tpu.memory_space<semaphore_mem>>
    tpu.enqueue_indirect_dma source(%dma_start3A_51 : memref<1000000x64xf32, #tpu.memory_space<hbm>>) target(%dma_start3A_46 : memref<128x64xf32, #tpu.memory_space<vmem>>) offsets(%dma_start3A_48 : memref<128xi32, #tpu.memory_space<vmem>>) semaphore(%dma_start3A_53 : memref<!tpu.dma_semaphore, #tpu.memory_space<semaphore_mem>>)
    %dma_start3A_54 = arith.constant 4 : i32
    %dma_start3A_55 = arith.constant 4 : i32
    %dma_start3A_56 = arith.constant 0 : i32
    %dma_start3A_57 = arith.constant 0 : i32
    %dma_start3A_58 = tpu.memref_slice %arg6[%dma_start3A_54, %dma_start3A_56, %dma_start3A_57] : memref<8x128x64xf32, #tpu.memory_space<vmem>> -> memref<1x128x64xf32, #tpu.memory_space<vmem>>
    %dma_start3A_59 = tpu.memref_squeeze %dma_start3A_58 : memref<1x128x64xf32, #tpu.memory_space<vmem>> -> memref<128x64xf32, #tpu.memory_space<vmem>>
    %dma_start3A_60 = arith.constant 512 : i32
    %dma_start3A_61 = tpu.memref_slice %arg5[%dma_start3A_60] : memref<25600xi32, #tpu.memory_space<vmem>> -> memref<128xi32, #tpu.memory_space<vmem>>
    %dma_start3A_62 = arith.constant 0 : i32
    %dma_start3A_63 = arith.constant 0 : i32
    %dma_start3A_64 = tpu.memref_slice %arg3[%dma_start3A_62, %dma_start3A_63] : memref<1000000x64xf32, #tpu.memory_space<hbm>> -> memref<1000000x64xf32, #tpu.memory_space<hbm>>
    %dma_start3A_65 = tpu.memref_slice %arg7[%dma_start3A_55] : memref<8x!tpu.dma_semaphore, #tpu.memory_space<semaphore_mem>> -> memref<1x!tpu.dma_semaphore, #tpu.memory_space<semaphore_mem>>
    %dma_start3A_66 = tpu.memref_squeeze %dma_start3A_65 : memref<1x!tpu.dma_semaphore, #tpu.memory_space<semaphore_mem>> -> memref<!tpu.dma_semaphore, #tpu.memory_space<semaphore_mem>>
    tpu.enqueue_indirect_dma source(%dma_start3A_64 : memref<1000000x64xf32, #tpu.memory_space<hbm>>) target(%dma_start3A_59 : memref<128x64xf32, #tpu.memory_space<vmem>>) offsets(%dma_start3A_61 : memref<128xi32, #tpu.memory_space<vmem>>) semaphore(%dma_start3A_66 : memref<!tpu.dma_semaphore, #tpu.memory_space<semaphore_mem>>)
    %dma_start3A_67 = arith.constant 5 : i32
    %dma_start3A_68 = arith.constant 5 : i32
    %dma_start3A_69 = arith.constant 0 : i32
    %dma_start3A_70 = arith.constant 0 : i32
    %dma_start3A_71 = tpu.memref_slice %arg6[%dma_start3A_67, %dma_start3A_69, %dma_start3A_70] : memref<8x128x64xf32, #tpu.memory_space<vmem>> -> memref<1x128x64xf32, #tpu.memory_space<vmem>>
    %dma_start3A_72 = tpu.memref_squeeze %dma_start3A_71 : memref<1x128x64xf32, #tpu.memory_space<vmem>> -> memref<128x64xf32, #tpu.memory_space<vmem>>
    %dma_start3A_73 = arith.constant 640 : i32
    %dma_start3A_74 = tpu.memref_slice %arg5[%dma_start3A_73] : memref<25600xi32, #tpu.memory_space<vmem>> -> memref<128xi32, #tpu.memory_space<vmem>>
    %dma_start3A_75 = arith.constant 0 : i32
    %dma_start3A_76 = arith.constant 0 : i32
    %dma_start3A_77 = tpu.memref_slice %arg3[%dma_start3A_75, %dma_start3A_76] : memref<1000000x64xf32, #tpu.memory_space<hbm>> -> memref<1000000x64xf32, #tpu.memory_space<hbm>>
    %dma_start3A_78 = tpu.memref_slice %arg7[%dma_start3A_68] : memref<8x!tpu.dma_semaphore, #tpu.memory_space<semaphore_mem>> -> memref<1x!tpu.dma_semaphore, #tpu.memory_space<semaphore_mem>>
    %dma_start3A_79 = tpu.memref_squeeze %dma_start3A_78 : memref<1x!tpu.dma_semaphore, #tpu.memory_space<semaphore_mem>> -> memref<!tpu.dma_semaphore, #tpu.memory_space<semaphore_mem>>
    tpu.enqueue_indirect_dma source(%dma_start3A_77 : memref<1000000x64xf32, #tpu.memory_space<hbm>>) target(%dma_start3A_72 : memref<128x64xf32, #tpu.memory_space<vmem>>) offsets(%dma_start3A_74 : memref<128xi32, #tpu.memory_space<vmem>>) semaphore(%dma_start3A_79 : memref<!tpu.dma_semaphore, #tpu.memory_space<semaphore_mem>>)
    %dma_start3A_80 = arith.constant 6 : i32
    %dma_start3A_81 = arith.constant 6 : i32
    %dma_start3A_82 = arith.constant 0 : i32
    %dma_start3A_83 = arith.constant 0 : i32
    %dma_start3A_84 = tpu.memref_slice %arg6[%dma_start3A_80, %dma_start3A_82, %dma_start3A_83] : memref<8x128x64xf32, #tpu.memory_space<vmem>> -> memref<1x128x64xf32, #tpu.memory_space<vmem>>
    %dma_start3A_85 = tpu.memref_squeeze %dma_start3A_84 : memref<1x128x64xf32, #tpu.memory_space<vmem>> -> memref<128x64xf32, #tpu.memory_space<vmem>>
    %dma_start3A_86 = arith.constant 768 : i32
    %dma_start3A_87 = tpu.memref_slice %arg5[%dma_start3A_86] : memref<25600xi32, #tpu.memory_space<vmem>> -> memref<128xi32, #tpu.memory_space<vmem>>
    %dma_start3A_88 = arith.constant 0 : i32
    %dma_start3A_89 = arith.constant 0 : i32
    %dma_start3A_90 = tpu.memref_slice %arg3[%dma_start3A_88, %dma_start3A_89] : memref<1000000x64xf32, #tpu.memory_space<hbm>> -> memref<1000000x64xf32, #tpu.memory_space<hbm>>
    %dma_start3A_91 = tpu.memref_slice %arg7[%dma_start3A_81] : memref<8x!tpu.dma_semaphore, #tpu.memory_space<semaphore_mem>> -> memref<1x!tpu.dma_semaphore, #tpu.memory_space<semaphore_mem>>
    %dma_start3A_92 = tpu.memref_squeeze %dma_start3A_91 : memref<1x!tpu.dma_semaphore, #tpu.memory_space<semaphore_mem>> -> memref<!tpu.dma_semaphore, #tpu.memory_space<semaphore_mem>>
    tpu.enqueue_indirect_dma source(%dma_start3A_90 : memref<1000000x64xf32, #tpu.memory_space<hbm>>) target(%dma_start3A_85 : memref<128x64xf32, #tpu.memory_space<vmem>>) offsets(%dma_start3A_87 : memref<128xi32, #tpu.memory_space<vmem>>) semaphore(%dma_start3A_92 : memref<!tpu.dma_semaphore, #tpu.memory_space<semaphore_mem>>)
    %dma_start3A_93 = arith.constant 7 : i32
    %dma_start3A_94 = arith.constant 7 : i32
    %dma_start3A_95 = arith.constant 0 : i32
    %dma_start3A_96 = arith.constant 0 : i32
    %dma_start3A_97 = tpu.memref_slice %arg6[%dma_start3A_93, %dma_start3A_95, %dma_start3A_96] : memref<8x128x64xf32, #tpu.memory_space<vmem>> -> memref<1x128x64xf32, #tpu.memory_space<vmem>>
    %dma_start3A_98 = tpu.memref_squeeze %dma_start3A_97 : memref<1x128x64xf32, #tpu.memory_space<vmem>> -> memref<128x64xf32, #tpu.memory_space<vmem>>
    %dma_start3A_99 = arith.constant 896 : i32
    %dma_start3A_100 = tpu.memref_slice %arg5[%dma_start3A_99] : memref<25600xi32, #tpu.memory_space<vmem>> -> memref<128xi32, #tpu.memory_space<vmem>>
    %dma_start3A_101 = arith.constant 0 : i32
    %dma_start3A_102 = arith.constant 0 : i32
    %dma_start3A_103 = tpu.memref_slice %arg3[%dma_start3A_101, %dma_start3A_102] : memref<1000000x64xf32, #tpu.memory_space<hbm>> -> memref<1000000x64xf32, #tpu.memory_space<hbm>>
    %dma_start3A_104 = tpu.memref_slice %arg7[%dma_start3A_94] : memref<8x!tpu.dma_semaphore, #tpu.memory_space<semaphore_mem>> -> memref<1x!tpu.dma_semaphore, #tpu.memory_space<semaphore_mem>>
    %dma_start3A_105 = tpu.memref_squeeze %dma_start3A_104 : memref<1x!tpu.dma_semaphore, #tpu.memory_space<semaphore_mem>> -> memref<!tpu.dma_semaphore, #tpu.memory_space<semaphore_mem>>
    tpu.enqueue_indirect_dma source(%dma_start3A_103 : memref<1000000x64xf32, #tpu.memory_space<hbm>>) target(%dma_start3A_98 : memref<128x64xf32, #tpu.memory_space<vmem>>) offsets(%dma_start3A_100 : memref<128xi32, #tpu.memory_space<vmem>>) semaphore(%dma_start3A_105 : memref<!tpu.dma_semaphore, #tpu.memory_space<semaphore_mem>>)
    %scan3A = arith.constant 0 : i32
    %scan3A_106 = arith.constant 0 : i32
    %scan3A_107 = arith.constant 25 : i32
    %scan3A_108 = arith.addi %scan3A_106, %scan3A_107 : i32
    %scan3A_109 = arith.constant 1 : i32
    scf.for %scan3A_111 = %scan3A_106 to %scan3A_108 step %scan3A_109  : i32 {
      %mul3A_112 = arith.constant 8 : i32
      %mul3A_113 = arith.muli %scan3A_111, %mul3A_112 : i32
      %mul3A_114 = arith.constant 128 : i32
      %mul3A_115 = arith.muli %mul3A_113, %mul3A_114 : i32
      %dma_wait3A = arith.constant 0 : i32
      %dma_wait3A_116 = arith.constant 0 : i32
      %dma_wait3A_117 = arith.constant 0 : i32
      %dma_wait3A_118 = arith.constant 0 : i32
      %dma_wait3A_119 = tpu.memref_slice %arg6[%dma_wait3A, %dma_wait3A_117, %dma_wait3A_118] : memref<8x128x64xf32, #tpu.memory_space<vmem>> -> memref<1x128x64xf32, #tpu.memory_space<vmem>>
      %dma_wait3A_120 = tpu.memref_squeeze %dma_wait3A_119 : memref<1x128x64xf32, #tpu.memory_space<vmem>> -> memref<128x64xf32, #tpu.memory_space<vmem>>
      %dma_wait3A_121 = arith.constant 0 : i32
      %dma_wait3A_122 = tpu.memref_slice %arg5[%dma_wait3A_121] : memref<25600xi32, #tpu.memory_space<vmem>> -> memref<128xi32, #tpu.memory_space<vmem>>
      %dma_wait3A_123 = arith.constant 0 : i32
      %dma_wait3A_124 = arith.constant 0 : i32
      %dma_wait3A_125 = tpu.memref_slice %arg3[%dma_wait3A_123, %dma_wait3A_124] : memref<1000000x64xf32, #tpu.memory_space<hbm>> -> memref<1000000x64xf32, #tpu.memory_space<hbm>>
      %dma_wait3A_126 = tpu.memref_slice %arg7[%dma_wait3A_116] : memref<8x!tpu.dma_semaphore, #tpu.memory_space<semaphore_mem>> -> memref<1x!tpu.dma_semaphore, #tpu.memory_space<semaphore_mem>>
      %dma_wait3A_127 = tpu.memref_squeeze %dma_wait3A_126 : memref<1x!tpu.dma_semaphore, #tpu.memory_space<semaphore_mem>> -> memref<!tpu.dma_semaphore, #tpu.memory_space<semaphore_mem>>
      tpu.wait_indirect_dma semaphore(%dma_wait3A_127 : memref<!tpu.dma_semaphore, #tpu.memory_space<semaphore_mem>>) src(%dma_wait3A_125 : memref<1000000x64xf32, #tpu.memory_space<hbm>>) dst(%dma_wait3A_120 : memref<128x64xf32, #tpu.memory_space<vmem>>)
      %add3A_128 = arith.addi %mul3A_2, %mul3A_115 : i32
      %add3A_129 = arith.constant 0 : i32
      %add3A_130 = arith.addi %add3A_128, %add3A_129 : i32
      %dma_start3A_131 = arith.constant 0 : i32
      %dma_start3A_132 = arith.constant 0 : i32
      %dma_start3A_133 = arith.constant 0 : i32
      %dma_start3A_134 = arith.constant 0 : i32
      %dma_start3A_135 = tpu.memref_slice %arg6[%dma_start3A_131, %dma_start3A_133, %dma_start3A_134] : memref<8x128x64xf32, #tpu.memory_space<vmem>> -> memref<1x128x64xf32, #tpu.memory_space<vmem>>
      %dma_start3A_136 = tpu.memref_squeeze %dma_start3A_135 : memref<1x128x64xf32, #tpu.memory_space<vmem>> -> memref<128x64xf32, #tpu.memory_space<vmem>>
      %dma_start3A_137 = arith.constant 0 : i32
      %dma_start3A_138 = tpu.memref_slice %arg4[%add3A_130, %dma_start3A_137] : memref<819200x64xf32, #tpu.memory_space<hbm>> -> memref<128x64xf32, #tpu.memory_space<hbm>>
      %dma_start3A_139 = tpu.memref_slice %arg8[%dma_start3A_132] : memref<8x!tpu.dma_semaphore, #tpu.memory_space<semaphore_mem>> -> memref<1x!tpu.dma_semaphore, #tpu.memory_space<semaphore_mem>>
      %dma_start3A_140 = tpu.memref_squeeze %dma_start3A_139 : memref<1x!tpu.dma_semaphore, #tpu.memory_space<semaphore_mem>> -> memref<!tpu.dma_semaphore, #tpu.memory_space<semaphore_mem>>
      %dma_start3A_141 = arith.constant 0 : i32
      %dma_start3A_142 = tpu.memref_slice %arg4[%add3A_130, %dma_start3A_141] : memref<819200x64xf32, #tpu.memory_space<hbm>> -> memref<128x64xf32, #tpu.memory_space<hbm>>
      %dma_start3A_143 = arith.constant 0 : i32
      %dma_start3A_144 = arith.constant 0 : i32
      %dma_start3A_145 = tpu.memref_slice %arg6[%dma_start3A_131, %dma_start3A_143, %dma_start3A_144] : memref<8x128x64xf32, #tpu.memory_space<vmem>> -> memref<1x128x64xf32, #tpu.memory_space<vmem>>
      %dma_start3A_146 = tpu.memref_squeeze %dma_start3A_145 : memref<1x128x64xf32, #tpu.memory_space<vmem>> -> memref<128x64xf32, #tpu.memory_space<vmem>>
      tpu.enqueue_dma source(%dma_start3A_146 : memref<128x64xf32, #tpu.memory_space<vmem>>) target(%dma_start3A_142 : memref<128x64xf32, #tpu.memory_space<hbm>>) target_semaphore(%dma_start3A_140 : memref<!tpu.dma_semaphore, #tpu.memory_space<semaphore_mem>>)
      %dma_wait3A_147 = arith.constant 1 : i32
      %dma_wait3A_148 = arith.constant 1 : i32
      %dma_wait3A_149 = arith.constant 0 : i32
      %dma_wait3A_150 = arith.constant 0 : i32
      %dma_wait3A_151 = tpu.memref_slice %arg6[%dma_wait3A_147, %dma_wait3A_149, %dma_wait3A_150] : memref<8x128x64xf32, #tpu.memory_space<vmem>> -> memref<1x128x64xf32, #tpu.memory_space<vmem>>
      %dma_wait3A_152 = tpu.memref_squeeze %dma_wait3A_151 : memref<1x128x64xf32, #tpu.memory_space<vmem>> -> memref<128x64xf32, #tpu.memory_space<vmem>>
      %dma_wait3A_153 = arith.constant 128 : i32
      %dma_wait3A_154 = tpu.memref_slice %arg5[%dma_wait3A_153] : memref<25600xi32, #tpu.memory_space<vmem>> -> memref<128xi32, #tpu.memory_space<vmem>>
      %dma_wait3A_155 = arith.constant 0 : i32
      %dma_wait3A_156 = arith.constant 0 : i32
      %dma_wait3A_157 = tpu.memref_slice %arg3[%dma_wait3A_155, %dma_wait3A_156] : memref<1000000x64xf32, #tpu.memory_space<hbm>> -> memref<1000000x64xf32, #tpu.memory_space<hbm>>
      %dma_wait3A_158 = tpu.memref_slice %arg7[%dma_wait3A_148] : memref<8x!tpu.dma_semaphore, #tpu.memory_space<semaphore_mem>> -> memref<1x!tpu.dma_semaphore, #tpu.memory_space<semaphore_mem>>
      %dma_wait3A_159 = tpu.memref_squeeze %dma_wait3A_158 : memref<1x!tpu.dma_semaphore, #tpu.memory_space<semaphore_mem>> -> memref<!tpu.dma_semaphore, #tpu.memory_space<semaphore_mem>>
      tpu.wait_indirect_dma semaphore(%dma_wait3A_159 : memref<!tpu.dma_semaphore, #tpu.memory_space<semaphore_mem>>) src(%dma_wait3A_157 : memref<1000000x64xf32, #tpu.memory_space<hbm>>) dst(%dma_wait3A_152 : memref<128x64xf32, #tpu.memory_space<vmem>>)
      %add3A_160 = arith.addi %mul3A_2, %mul3A_115 : i32
      %add3A_161 = arith.constant 128 : i32
      %add3A_162 = arith.addi %add3A_160, %add3A_161 : i32
      %dma_start3A_163 = arith.constant 1 : i32
      %dma_start3A_164 = arith.constant 1 : i32
      %dma_start3A_165 = arith.constant 0 : i32
      %dma_start3A_166 = arith.constant 0 : i32
      %dma_start3A_167 = tpu.memref_slice %arg6[%dma_start3A_163, %dma_start3A_165, %dma_start3A_166] : memref<8x128x64xf32, #tpu.memory_space<vmem>> -> memref<1x128x64xf32, #tpu.memory_space<vmem>>
      %dma_start3A_168 = tpu.memref_squeeze %dma_start3A_167 : memref<1x128x64xf32, #tpu.memory_space<vmem>> -> memref<128x64xf32, #tpu.memory_space<vmem>>
      %dma_start3A_169 = arith.constant 0 : i32
      %dma_start3A_170 = tpu.memref_slice %arg4[%add3A_162, %dma_start3A_169] : memref<819200x64xf32, #tpu.memory_space<hbm>> -> memref<128x64xf32, #tpu.memory_space<hbm>>
      %dma_start3A_171 = tpu.memref_slice %arg8[%dma_start3A_164] : memref<8x!tpu.dma_semaphore, #tpu.memory_space<semaphore_mem>> -> memref<1x!tpu.dma_semaphore, #tpu.memory_space<semaphore_mem>>
      %dma_start3A_172 = tpu.memref_squeeze %dma_start3A_171 : memref<1x!tpu.dma_semaphore, #tpu.memory_space<semaphore_mem>> -> memref<!tpu.dma_semaphore, #tpu.memory_space<semaphore_mem>>
      %dma_start3A_173 = arith.constant 0 : i32
      %dma_start3A_174 = tpu.memref_slice %arg4[%add3A_162, %dma_start3A_173] : memref<819200x64xf32, #tpu.memory_space<hbm>> -> memref<128x64xf32, #tpu.memory_space<hbm>>
      %dma_start3A_175 = arith.constant 0 : i32
      %dma_start3A_176 = arith.constant 0 : i32
      %dma_start3A_177 = tpu.memref_slice %arg6[%dma_start3A_163, %dma_start3A_175, %dma_start3A_176] : memref<8x128x64xf32, #tpu.memory_space<vmem>> -> memref<1x128x64xf32, #tpu.memory_space<vmem>>
      %dma_start3A_178 = tpu.memref_squeeze %dma_start3A_177 : memref<1x128x64xf32, #tpu.memory_space<vmem>> -> memref<128x64xf32, #tpu.memory_space<vmem>>
      tpu.enqueue_dma source(%dma_start3A_178 : memref<128x64xf32, #tpu.memory_space<vmem>>) target(%dma_start3A_174 : memref<128x64xf32, #tpu.memory_space<hbm>>) target_semaphore(%dma_start3A_172 : memref<!tpu.dma_semaphore, #tpu.memory_space<semaphore_mem>>)
      %dma_wait3A_179 = arith.constant 2 : i32
      %dma_wait3A_180 = arith.constant 2 : i32
      %dma_wait3A_181 = arith.constant 0 : i32
      %dma_wait3A_182 = arith.constant 0 : i32
      %dma_wait3A_183 = tpu.memref_slice %arg6[%dma_wait3A_179, %dma_wait3A_181, %dma_wait3A_182] : memref<8x128x64xf32, #tpu.memory_space<vmem>> -> memref<1x128x64xf32, #tpu.memory_space<vmem>>
      %dma_wait3A_184 = tpu.memref_squeeze %dma_wait3A_183 : memref<1x128x64xf32, #tpu.memory_space<vmem>> -> memref<128x64xf32, #tpu.memory_space<vmem>>
      %dma_wait3A_185 = arith.constant 256 : i32
      %dma_wait3A_186 = tpu.memref_slice %arg5[%dma_wait3A_185] : memref<25600xi32, #tpu.memory_space<vmem>> -> memref<128xi32, #tpu.memory_space<vmem>>
      %dma_wait3A_187 = arith.constant 0 : i32
      %dma_wait3A_188 = arith.constant 0 : i32
      %dma_wait3A_189 = tpu.memref_slice %arg3[%dma_wait3A_187, %dma_wait3A_188] : memref<1000000x64xf32, #tpu.memory_space<hbm>> -> memref<1000000x64xf32, #tpu.memory_space<hbm>>
      %dma_wait3A_190 = tpu.memref_slice %arg7[%dma_wait3A_180] : memref<8x!tpu.dma_semaphore, #tpu.memory_space<semaphore_mem>> -> memref<1x!tpu.dma_semaphore, #tpu.memory_space<semaphore_mem>>
      %dma_wait3A_191 = tpu.memref_squeeze %dma_wait3A_190 : memref<1x!tpu.dma_semaphore, #tpu.memory_space<semaphore_mem>> -> memref<!tpu.dma_semaphore, #tpu.memory_space<semaphore_mem>>
      tpu.wait_indirect_dma semaphore(%dma_wait3A_191 : memref<!tpu.dma_semaphore, #tpu.memory_space<semaphore_mem>>) src(%dma_wait3A_189 : memref<1000000x64xf32, #tpu.memory_space<hbm>>) dst(%dma_wait3A_184 : memref<128x64xf32, #tpu.memory_space<vmem>>)
      %add3A_192 = arith.addi %mul3A_2, %mul3A_115 : i32
      %add3A_193 = arith.constant 256 : i32
      %add3A_194 = arith.addi %add3A_192, %add3A_193 : i32
      %dma_start3A_195 = arith.constant 2 : i32
      %dma_start3A_196 = arith.constant 2 : i32
      %dma_start3A_197 = arith.constant 0 : i32
      %dma_start3A_198 = arith.constant 0 : i32
      %dma_start3A_199 = tpu.memref_slice %arg6[%dma_start3A_195, %dma_start3A_197, %dma_start3A_198] : memref<8x128x64xf32, #tpu.memory_space<vmem>> -> memref<1x128x64xf32, #tpu.memory_space<vmem>>
      %dma_start3A_200 = tpu.memref_squeeze %dma_start3A_199 : memref<1x128x64xf32, #tpu.memory_space<vmem>> -> memref<128x64xf32, #tpu.memory_space<vmem>>
      %dma_start3A_201 = arith.constant 0 : i32
      %dma_start3A_202 = tpu.memref_slice %arg4[%add3A_194, %dma_start3A_201] : memref<819200x64xf32, #tpu.memory_space<hbm>> -> memref<128x64xf32, #tpu.memory_space<hbm>>
      %dma_start3A_203 = tpu.memref_slice %arg8[%dma_start3A_196] : memref<8x!tpu.dma_semaphore, #tpu.memory_space<semaphore_mem>> -> memref<1x!tpu.dma_semaphore, #tpu.memory_space<semaphore_mem>>
      %dma_start3A_204 = tpu.memref_squeeze %dma_start3A_203 : memref<1x!tpu.dma_semaphore, #tpu.memory_space<semaphore_mem>> -> memref<!tpu.dma_semaphore, #tpu.memory_space<semaphore_mem>>
      %dma_start3A_205 = arith.constant 0 : i32
      %dma_start3A_206 = tpu.memref_slice %arg4[%add3A_194, %dma_start3A_205] : memref<819200x64xf32, #tpu.memory_space<hbm>> -> memref<128x64xf32, #tpu.memory_space<hbm>>
      %dma_start3A_207 = arith.constant 0 : i32
      %dma_start3A_208 = arith.constant 0 : i32
      %dma_start3A_209 = tpu.memref_slice %arg6[%dma_start3A_195, %dma_start3A_207, %dma_start3A_208] : memref<8x128x64xf32, #tpu.memory_space<vmem>> -> memref<1x128x64xf32, #tpu.memory_space<vmem>>
      %dma_start3A_210 = tpu.memref_squeeze %dma_start3A_209 : memref<1x128x64xf32, #tpu.memory_space<vmem>> -> memref<128x64xf32, #tpu.memory_space<vmem>>
      tpu.enqueue_dma source(%dma_start3A_210 : memref<128x64xf32, #tpu.memory_space<vmem>>) target(%dma_start3A_206 : memref<128x64xf32, #tpu.memory_space<hbm>>) target_semaphore(%dma_start3A_204 : memref<!tpu.dma_semaphore, #tpu.memory_space<semaphore_mem>>)
      %dma_wait3A_211 = arith.constant 3 : i32
      %dma_wait3A_212 = arith.constant 3 : i32
      %dma_wait3A_213 = arith.constant 0 : i32
      %dma_wait3A_214 = arith.constant 0 : i32
      %dma_wait3A_215 = tpu.memref_slice %arg6[%dma_wait3A_211, %dma_wait3A_213, %dma_wait3A_214] : memref<8x128x64xf32, #tpu.memory_space<vmem>> -> memref<1x128x64xf32, #tpu.memory_space<vmem>>
      %dma_wait3A_216 = tpu.memref_squeeze %dma_wait3A_215 : memref<1x128x64xf32, #tpu.memory_space<vmem>> -> memref<128x64xf32, #tpu.memory_space<vmem>>
      %dma_wait3A_217 = arith.constant 384 : i32
      %dma_wait3A_218 = tpu.memref_slice %arg5[%dma_wait3A_217] : memref<25600xi32, #tpu.memory_space<vmem>> -> memref<128xi32, #tpu.memory_space<vmem>>
      %dma_wait3A_219 = arith.constant 0 : i32
      %dma_wait3A_220 = arith.constant 0 : i32
      %dma_wait3A_221 = tpu.memref_slice %arg3[%dma_wait3A_219, %dma_wait3A_220] : memref<1000000x64xf32, #tpu.memory_space<hbm>> -> memref<1000000x64xf32, #tpu.memory_space<hbm>>
      %dma_wait3A_222 = tpu.memref_slice %arg7[%dma_wait3A_212] : memref<8x!tpu.dma_semaphore, #tpu.memory_space<semaphore_mem>> -> memref<1x!tpu.dma_semaphore, #tpu.memory_space<semaphore_mem>>
      %dma_wait3A_223 = tpu.memref_squeeze %dma_wait3A_222 : memref<1x!tpu.dma_semaphore, #tpu.memory_space<semaphore_mem>> -> memref<!tpu.dma_semaphore, #tpu.memory_space<semaphore_mem>>
      tpu.wait_indirect_dma semaphore(%dma_wait3A_223 : memref<!tpu.dma_semaphore, #tpu.memory_space<semaphore_mem>>) src(%dma_wait3A_221 : memref<1000000x64xf32, #tpu.memory_space<hbm>>) dst(%dma_wait3A_216 : memref<128x64xf32, #tpu.memory_space<vmem>>)
      %add3A_224 = arith.addi %mul3A_2, %mul3A_115 : i32
      %add3A_225 = arith.constant 384 : i32
      %add3A_226 = arith.addi %add3A_224, %add3A_225 : i32
      %dma_start3A_227 = arith.constant 3 : i32
      %dma_start3A_228 = arith.constant 3 : i32
      %dma_start3A_229 = arith.constant 0 : i32
      %dma_start3A_230 = arith.constant 0 : i32
      %dma_start3A_231 = tpu.memref_slice %arg6[%dma_start3A_227, %dma_start3A_229, %dma_start3A_230] : memref<8x128x64xf32, #tpu.memory_space<vmem>> -> memref<1x128x64xf32, #tpu.memory_space<vmem>>
      %dma_start3A_232 = tpu.memref_squeeze %dma_start3A_231 : memref<1x128x64xf32, #tpu.memory_space<vmem>> -> memref<128x64xf32, #tpu.memory_space<vmem>>
      %dma_start3A_233 = arith.constant 0 : i32
      %dma_start3A_234 = tpu.memref_slice %arg4[%add3A_226, %dma_start3A_233] : memref<819200x64xf32, #tpu.memory_space<hbm>> -> memref<128x64xf32, #tpu.memory_space<hbm>>
      %dma_start3A_235 = tpu.memref_slice %arg8[%dma_start3A_228] : memref<8x!tpu.dma_semaphore, #tpu.memory_space<semaphore_mem>> -> memref<1x!tpu.dma_semaphore, #tpu.memory_space<semaphore_mem>>
      %dma_start3A_236 = tpu.memref_squeeze %dma_start3A_235 : memref<1x!tpu.dma_semaphore, #tpu.memory_space<semaphore_mem>> -> memref<!tpu.dma_semaphore, #tpu.memory_space<semaphore_mem>>
      %dma_start3A_237 = arith.constant 0 : i32
      %dma_start3A_238 = tpu.memref_slice %arg4[%add3A_226, %dma_start3A_237] : memref<819200x64xf32, #tpu.memory_space<hbm>> -> memref<128x64xf32, #tpu.memory_space<hbm>>
      %dma_start3A_239 = arith.constant 0 : i32
      %dma_start3A_240 = arith.constant 0 : i32
      %dma_start3A_241 = tpu.memref_slice %arg6[%dma_start3A_227, %dma_start3A_239, %dma_start3A_240] : memref<8x128x64xf32, #tpu.memory_space<vmem>> -> memref<1x128x64xf32, #tpu.memory_space<vmem>>
      %dma_start3A_242 = tpu.memref_squeeze %dma_start3A_241 : memref<1x128x64xf32, #tpu.memory_space<vmem>> -> memref<128x64xf32, #tpu.memory_space<vmem>>
      tpu.enqueue_dma source(%dma_start3A_242 : memref<128x64xf32, #tpu.memory_space<vmem>>) target(%dma_start3A_238 : memref<128x64xf32, #tpu.memory_space<hbm>>) target_semaphore(%dma_start3A_236 : memref<!tpu.dma_semaphore, #tpu.memory_space<semaphore_mem>>)
      %dma_wait3A_243 = arith.constant 4 : i32
      %dma_wait3A_244 = arith.constant 4 : i32
      %dma_wait3A_245 = arith.constant 0 : i32
      %dma_wait3A_246 = arith.constant 0 : i32
      %dma_wait3A_247 = tpu.memref_slice %arg6[%dma_wait3A_243, %dma_wait3A_245, %dma_wait3A_246] : memref<8x128x64xf32, #tpu.memory_space<vmem>> -> memref<1x128x64xf32, #tpu.memory_space<vmem>>
      %dma_wait3A_248 = tpu.memref_squeeze %dma_wait3A_247 : memref<1x128x64xf32, #tpu.memory_space<vmem>> -> memref<128x64xf32, #tpu.memory_space<vmem>>
      %dma_wait3A_249 = arith.constant 512 : i32
      %dma_wait3A_250 = tpu.memref_slice %arg5[%dma_wait3A_249] : memref<25600xi32, #tpu.memory_space<vmem>> -> memref<128xi32, #tpu.memory_space<vmem>>
      %dma_wait3A_251 = arith.constant 0 : i32
      %dma_wait3A_252 = arith.constant 0 : i32
      %dma_wait3A_253 = tpu.memref_slice %arg3[%dma_wait3A_251, %dma_wait3A_252] : memref<1000000x64xf32, #tpu.memory_space<hbm>> -> memref<1000000x64xf32, #tpu.memory_space<hbm>>
      %dma_wait3A_254 = tpu.memref_slice %arg7[%dma_wait3A_244] : memref<8x!tpu.dma_semaphore, #tpu.memory_space<semaphore_mem>> -> memref<1x!tpu.dma_semaphore, #tpu.memory_space<semaphore_mem>>
      %dma_wait3A_255 = tpu.memref_squeeze %dma_wait3A_254 : memref<1x!tpu.dma_semaphore, #tpu.memory_space<semaphore_mem>> -> memref<!tpu.dma_semaphore, #tpu.memory_space<semaphore_mem>>
      tpu.wait_indirect_dma semaphore(%dma_wait3A_255 : memref<!tpu.dma_semaphore, #tpu.memory_space<semaphore_mem>>) src(%dma_wait3A_253 : memref<1000000x64xf32, #tpu.memory_space<hbm>>) dst(%dma_wait3A_248 : memref<128x64xf32, #tpu.memory_space<vmem>>)
      %add3A_256 = arith.addi %mul3A_2, %mul3A_115 : i32
      %add3A_257 = arith.constant 512 : i32
      %add3A_258 = arith.addi %add3A_256, %add3A_257 : i32
      %dma_start3A_259 = arith.constant 4 : i32
      %dma_start3A_260 = arith.constant 4 : i32
      %dma_start3A_261 = arith.constant 0 : i32
      %dma_start3A_262 = arith.constant 0 : i32
      %dma_start3A_263 = tpu.memref_slice %arg6[%dma_start3A_259, %dma_start3A_261, %dma_start3A_262] : memref<8x128x64xf32, #tpu.memory_space<vmem>> -> memref<1x128x64xf32, #tpu.memory_space<vmem>>
      %dma_start3A_264 = tpu.memref_squeeze %dma_start3A_263 : memref<1x128x64xf32, #tpu.memory_space<vmem>> -> memref<128x64xf32, #tpu.memory_space<vmem>>
      %dma_start3A_265 = arith.constant 0 : i32
      %dma_start3A_266 = tpu.memref_slice %arg4[%add3A_258, %dma_start3A_265] : memref<819200x64xf32, #tpu.memory_space<hbm>> -> memref<128x64xf32, #tpu.memory_space<hbm>>
      %dma_start3A_267 = tpu.memref_slice %arg8[%dma_start3A_260] : memref<8x!tpu.dma_semaphore, #tpu.memory_space<semaphore_mem>> -> memref<1x!tpu.dma_semaphore, #tpu.memory_space<semaphore_mem>>
      %dma_start3A_268 = tpu.memref_squeeze %dma_start3A_267 : memref<1x!tpu.dma_semaphore, #tpu.memory_space<semaphore_mem>> -> memref<!tpu.dma_semaphore, #tpu.memory_space<semaphore_mem>>
      %dma_start3A_269 = arith.constant 0 : i32
      %dma_start3A_270 = tpu.memref_slice %arg4[%add3A_258, %dma_start3A_269] : memref<819200x64xf32, #tpu.memory_space<hbm>> -> memref<128x64xf32, #tpu.memory_space<hbm>>
      %dma_start3A_271 = arith.constant 0 : i32
      %dma_start3A_272 = arith.constant 0 : i32
      %dma_start3A_273 = tpu.memref_slice %arg6[%dma_start3A_259, %dma_start3A_271, %dma_start3A_272] : memref<8x128x64xf32, #tpu.memory_space<vmem>> -> memref<1x128x64xf32, #tpu.memory_space<vmem>>
      %dma_start3A_274 = tpu.memref_squeeze %dma_start3A_273 : memref<1x128x64xf32, #tpu.memory_space<vmem>> -> memref<128x64xf32, #tpu.memory_space<vmem>>
      tpu.enqueue_dma source(%dma_start3A_274 : memref<128x64xf32, #tpu.memory_space<vmem>>) target(%dma_start3A_270 : memref<128x64xf32, #tpu.memory_space<hbm>>) target_semaphore(%dma_start3A_268 : memref<!tpu.dma_semaphore, #tpu.memory_space<semaphore_mem>>)
      %dma_wait3A_275 = arith.constant 5 : i32
      %dma_wait3A_276 = arith.constant 5 : i32
      %dma_wait3A_277 = arith.constant 0 : i32
      %dma_wait3A_278 = arith.constant 0 : i32
      %dma_wait3A_279 = tpu.memref_slice %arg6[%dma_wait3A_275, %dma_wait3A_277, %dma_wait3A_278] : memref<8x128x64xf32, #tpu.memory_space<vmem>> -> memref<1x128x64xf32, #tpu.memory_space<vmem>>
      %dma_wait3A_280 = tpu.memref_squeeze %dma_wait3A_279 : memref<1x128x64xf32, #tpu.memory_space<vmem>> -> memref<128x64xf32, #tpu.memory_space<vmem>>
      %dma_wait3A_281 = arith.constant 640 : i32
      %dma_wait3A_282 = tpu.memref_slice %arg5[%dma_wait3A_281] : memref<25600xi32, #tpu.memory_space<vmem>> -> memref<128xi32, #tpu.memory_space<vmem>>
      %dma_wait3A_283 = arith.constant 0 : i32
      %dma_wait3A_284 = arith.constant 0 : i32
      %dma_wait3A_285 = tpu.memref_slice %arg3[%dma_wait3A_283, %dma_wait3A_284] : memref<1000000x64xf32, #tpu.memory_space<hbm>> -> memref<1000000x64xf32, #tpu.memory_space<hbm>>
      %dma_wait3A_286 = tpu.memref_slice %arg7[%dma_wait3A_276] : memref<8x!tpu.dma_semaphore, #tpu.memory_space<semaphore_mem>> -> memref<1x!tpu.dma_semaphore, #tpu.memory_space<semaphore_mem>>
      %dma_wait3A_287 = tpu.memref_squeeze %dma_wait3A_286 : memref<1x!tpu.dma_semaphore, #tpu.memory_space<semaphore_mem>> -> memref<!tpu.dma_semaphore, #tpu.memory_space<semaphore_mem>>
      tpu.wait_indirect_dma semaphore(%dma_wait3A_287 : memref<!tpu.dma_semaphore, #tpu.memory_space<semaphore_mem>>) src(%dma_wait3A_285 : memref<1000000x64xf32, #tpu.memory_space<hbm>>) dst(%dma_wait3A_280 : memref<128x64xf32, #tpu.memory_space<vmem>>)
      %add3A_288 = arith.addi %mul3A_2, %mul3A_115 : i32
      %add3A_289 = arith.constant 640 : i32
      %add3A_290 = arith.addi %add3A_288, %add3A_289 : i32
      %dma_start3A_291 = arith.constant 5 : i32
      %dma_start3A_292 = arith.constant 5 : i32
      %dma_start3A_293 = arith.constant 0 : i32
      %dma_start3A_294 = arith.constant 0 : i32
      %dma_start3A_295 = tpu.memref_slice %arg6[%dma_start3A_291, %dma_start3A_293, %dma_start3A_294] : memref<8x128x64xf32, #tpu.memory_space<vmem>> -> memref<1x128x64xf32, #tpu.memory_space<vmem>>
      %dma_start3A_296 = tpu.memref_squeeze %dma_start3A_295 : memref<1x128x64xf32, #tpu.memory_space<vmem>> -> memref<128x64xf32, #tpu.memory_space<vmem>>
      %dma_start3A_297 = arith.constant 0 : i32
      %dma_start3A_298 = tpu.memref_slice %arg4[%add3A_290, %dma_start3A_297] : memref<819200x64xf32, #tpu.memory_space<hbm>> -> memref<128x64xf32, #tpu.memory_space<hbm>>
      %dma_start3A_299 = tpu.memref_slice %arg8[%dma_start3A_292] : memref<8x!tpu.dma_semaphore, #tpu.memory_space<semaphore_mem>> -> memref<1x!tpu.dma_semaphore, #tpu.memory_space<semaphore_mem>>
      %dma_start3A_300 = tpu.memref_squeeze %dma_start3A_299 : memref<1x!tpu.dma_semaphore, #tpu.memory_space<semaphore_mem>> -> memref<!tpu.dma_semaphore, #tpu.memory_space<semaphore_mem>>
      %dma_start3A_301 = arith.constant 0 : i32
      %dma_start3A_302 = tpu.memref_slice %arg4[%add3A_290, %dma_start3A_301] : memref<819200x64xf32, #tpu.memory_space<hbm>> -> memref<128x64xf32, #tpu.memory_space<hbm>>
      %dma_start3A_303 = arith.constant 0 : i32
      %dma_start3A_304 = arith.constant 0 : i32
      %dma_start3A_305 = tpu.memref_slice %arg6[%dma_start3A_291, %dma_start3A_303, %dma_start3A_304] : memref<8x128x64xf32, #tpu.memory_space<vmem>> -> memref<1x128x64xf32, #tpu.memory_space<vmem>>
      %dma_start3A_306 = tpu.memref_squeeze %dma_start3A_305 : memref<1x128x64xf32, #tpu.memory_space<vmem>> -> memref<128x64xf32, #tpu.memory_space<vmem>>
      tpu.enqueue_dma source(%dma_start3A_306 : memref<128x64xf32, #tpu.memory_space<vmem>>) target(%dma_start3A_302 : memref<128x64xf32, #tpu.memory_space<hbm>>) target_semaphore(%dma_start3A_300 : memref<!tpu.dma_semaphore, #tpu.memory_space<semaphore_mem>>)
      %dma_wait3A_307 = arith.constant 6 : i32
      %dma_wait3A_308 = arith.constant 6 : i32
      %dma_wait3A_309 = arith.constant 0 : i32
      %dma_wait3A_310 = arith.constant 0 : i32
      %dma_wait3A_311 = tpu.memref_slice %arg6[%dma_wait3A_307, %dma_wait3A_309, %dma_wait3A_310] : memref<8x128x64xf32, #tpu.memory_space<vmem>> -> memref<1x128x64xf32, #tpu.memory_space<vmem>>
      %dma_wait3A_312 = tpu.memref_squeeze %dma_wait3A_311 : memref<1x128x64xf32, #tpu.memory_space<vmem>> -> memref<128x64xf32, #tpu.memory_space<vmem>>
      %dma_wait3A_313 = arith.constant 768 : i32
      %dma_wait3A_314 = tpu.memref_slice %arg5[%dma_wait3A_313] : memref<25600xi32, #tpu.memory_space<vmem>> -> memref<128xi32, #tpu.memory_space<vmem>>
      %dma_wait3A_315 = arith.constant 0 : i32
      %dma_wait3A_316 = arith.constant 0 : i32
      %dma_wait3A_317 = tpu.memref_slice %arg3[%dma_wait3A_315, %dma_wait3A_316] : memref<1000000x64xf32, #tpu.memory_space<hbm>> -> memref<1000000x64xf32, #tpu.memory_space<hbm>>
      %dma_wait3A_318 = tpu.memref_slice %arg7[%dma_wait3A_308] : memref<8x!tpu.dma_semaphore, #tpu.memory_space<semaphore_mem>> -> memref<1x!tpu.dma_semaphore, #tpu.memory_space<semaphore_mem>>
      %dma_wait3A_319 = tpu.memref_squeeze %dma_wait3A_318 : memref<1x!tpu.dma_semaphore, #tpu.memory_space<semaphore_mem>> -> memref<!tpu.dma_semaphore, #tpu.memory_space<semaphore_mem>>
      tpu.wait_indirect_dma semaphore(%dma_wait3A_319 : memref<!tpu.dma_semaphore, #tpu.memory_space<semaphore_mem>>) src(%dma_wait3A_317 : memref<1000000x64xf32, #tpu.memory_space<hbm>>) dst(%dma_wait3A_312 : memref<128x64xf32, #tpu.memory_space<vmem>>)
      %add3A_320 = arith.addi %mul3A_2, %mul3A_115 : i32
      %add3A_321 = arith.constant 768 : i32
      %add3A_322 = arith.addi %add3A_320, %add3A_321 : i32
      %dma_start3A_323 = arith.constant 6 : i32
      %dma_start3A_324 = arith.constant 6 : i32
      %dma_start3A_325 = arith.constant 0 : i32
      %dma_start3A_326 = arith.constant 0 : i32
      %dma_start3A_327 = tpu.memref_slice %arg6[%dma_start3A_323, %dma_start3A_325, %dma_start3A_326] : memref<8x128x64xf32, #tpu.memory_space<vmem>> -> memref<1x128x64xf32, #tpu.memory_space<vmem>>
      %dma_start3A_328 = tpu.memref_squeeze %dma_start3A_327 : memref<1x128x64xf32, #tpu.memory_space<vmem>> -> memref<128x64xf32, #tpu.memory_space<vmem>>
      %dma_start3A_329 = arith.constant 0 : i32
      %dma_start3A_330 = tpu.memref_slice %arg4[%add3A_322, %dma_start3A_329] : memref<819200x64xf32, #tpu.memory_space<hbm>> -> memref<128x64xf32, #tpu.memory_space<hbm>>
      %dma_start3A_331 = tpu.memref_slice %arg8[%dma_start3A_324] : memref<8x!tpu.dma_semaphore, #tpu.memory_space<semaphore_mem>> -> memref<1x!tpu.dma_semaphore, #tpu.memory_space<semaphore_mem>>
      %dma_start3A_332 = tpu.memref_squeeze %dma_start3A_331 : memref<1x!tpu.dma_semaphore, #tpu.memory_space<semaphore_mem>> -> memref<!tpu.dma_semaphore, #tpu.memory_space<semaphore_mem>>
      %dma_start3A_333 = arith.constant 0 : i32
      %dma_start3A_334 = tpu.memref_slice %arg4[%add3A_322, %dma_start3A_333] : memref<819200x64xf32, #tpu.memory_space<hbm>> -> memref<128x64xf32, #tpu.memory_space<hbm>>
      %dma_start3A_335 = arith.constant 0 : i32
      %dma_start3A_336 = arith.constant 0 : i32
      %dma_start3A_337 = tpu.memref_slice %arg6[%dma_start3A_323, %dma_start3A_335, %dma_start3A_336] : memref<8x128x64xf32, #tpu.memory_space<vmem>> -> memref<1x128x64xf32, #tpu.memory_space<vmem>>
      %dma_start3A_338 = tpu.memref_squeeze %dma_start3A_337 : memref<1x128x64xf32, #tpu.memory_space<vmem>> -> memref<128x64xf32, #tpu.memory_space<vmem>>
      tpu.enqueue_dma source(%dma_start3A_338 : memref<128x64xf32, #tpu.memory_space<vmem>>) target(%dma_start3A_334 : memref<128x64xf32, #tpu.memory_space<hbm>>) target_semaphore(%dma_start3A_332 : memref<!tpu.dma_semaphore, #tpu.memory_space<semaphore_mem>>)
      %dma_wait3A_339 = arith.constant 7 : i32
      %dma_wait3A_340 = arith.constant 7 : i32
      %dma_wait3A_341 = arith.constant 0 : i32
      %dma_wait3A_342 = arith.constant 0 : i32
      %dma_wait3A_343 = tpu.memref_slice %arg6[%dma_wait3A_339, %dma_wait3A_341, %dma_wait3A_342] : memref<8x128x64xf32, #tpu.memory_space<vmem>> -> memref<1x128x64xf32, #tpu.memory_space<vmem>>
      %dma_wait3A_344 = tpu.memref_squeeze %dma_wait3A_343 : memref<1x128x64xf32, #tpu.memory_space<vmem>> -> memref<128x64xf32, #tpu.memory_space<vmem>>
      %dma_wait3A_345 = arith.constant 896 : i32
      %dma_wait3A_346 = tpu.memref_slice %arg5[%dma_wait3A_345] : memref<25600xi32, #tpu.memory_space<vmem>> -> memref<128xi32, #tpu.memory_space<vmem>>
      %dma_wait3A_347 = arith.constant 0 : i32
      %dma_wait3A_348 = arith.constant 0 : i32
      %dma_wait3A_349 = tpu.memref_slice %arg3[%dma_wait3A_347, %dma_wait3A_348] : memref<1000000x64xf32, #tpu.memory_space<hbm>> -> memref<1000000x64xf32, #tpu.memory_space<hbm>>
      %dma_wait3A_350 = tpu.memref_slice %arg7[%dma_wait3A_340] : memref<8x!tpu.dma_semaphore, #tpu.memory_space<semaphore_mem>> -> memref<1x!tpu.dma_semaphore, #tpu.memory_space<semaphore_mem>>
      %dma_wait3A_351 = tpu.memref_squeeze %dma_wait3A_350 : memref<1x!tpu.dma_semaphore, #tpu.memory_space<semaphore_mem>> -> memref<!tpu.dma_semaphore, #tpu.memory_space<semaphore_mem>>
      tpu.wait_indirect_dma semaphore(%dma_wait3A_351 : memref<!tpu.dma_semaphore, #tpu.memory_space<semaphore_mem>>) src(%dma_wait3A_349 : memref<1000000x64xf32, #tpu.memory_space<hbm>>) dst(%dma_wait3A_344 : memref<128x64xf32, #tpu.memory_space<vmem>>)
      %add3A_352 = arith.addi %mul3A_2, %mul3A_115 : i32
      %add3A_353 = arith.constant 896 : i32
      %add3A_354 = arith.addi %add3A_352, %add3A_353 : i32
      %dma_start3A_355 = arith.constant 7 : i32
      %dma_start3A_356 = arith.constant 7 : i32
      %dma_start3A_357 = arith.constant 0 : i32
      %dma_start3A_358 = arith.constant 0 : i32
      %dma_start3A_359 = tpu.memref_slice %arg6[%dma_start3A_355, %dma_start3A_357, %dma_start3A_358] : memref<8x128x64xf32, #tpu.memory_space<vmem>> -> memref<1x128x64xf32, #tpu.memory_space<vmem>>
      %dma_start3A_360 = tpu.memref_squeeze %dma_start3A_359 : memref<1x128x64xf32, #tpu.memory_space<vmem>> -> memref<128x64xf32, #tpu.memory_space<vmem>>
      %dma_start3A_361 = arith.constant 0 : i32
      %dma_start3A_362 = tpu.memref_slice %arg4[%add3A_354, %dma_start3A_361] : memref<819200x64xf32, #tpu.memory_space<hbm>> -> memref<128x64xf32, #tpu.memory_space<hbm>>
      %dma_start3A_363 = tpu.memref_slice %arg8[%dma_start3A_356] : memref<8x!tpu.dma_semaphore, #tpu.memory_space<semaphore_mem>> -> memref<1x!tpu.dma_semaphore, #tpu.memory_space<semaphore_mem>>
      %dma_start3A_364 = tpu.memref_squeeze %dma_start3A_363 : memref<1x!tpu.dma_semaphore, #tpu.memory_space<semaphore_mem>> -> memref<!tpu.dma_semaphore, #tpu.memory_space<semaphore_mem>>
      %dma_start3A_365 = arith.constant 0 : i32
      %dma_start3A_366 = tpu.memref_slice %arg4[%add3A_354, %dma_start3A_365] : memref<819200x64xf32, #tpu.memory_space<hbm>> -> memref<128x64xf32, #tpu.memory_space<hbm>>
      %dma_start3A_367 = arith.constant 0 : i32
      %dma_start3A_368 = arith.constant 0 : i32
      %dma_start3A_369 = tpu.memref_slice %arg6[%dma_start3A_355, %dma_start3A_367, %dma_start3A_368] : memref<8x128x64xf32, #tpu.memory_space<vmem>> -> memref<1x128x64xf32, #tpu.memory_space<vmem>>
      %dma_start3A_370 = tpu.memref_squeeze %dma_start3A_369 : memref<1x128x64xf32, #tpu.memory_space<vmem>> -> memref<128x64xf32, #tpu.memory_space<vmem>>
      tpu.enqueue_dma source(%dma_start3A_370 : memref<128x64xf32, #tpu.memory_space<vmem>>) target(%dma_start3A_366 : memref<128x64xf32, #tpu.memory_space<hbm>>) target_semaphore(%dma_start3A_364 : memref<!tpu.dma_semaphore, #tpu.memory_space<semaphore_mem>>)
      %add3A_371 = arith.addi %mul3A_2, %mul3A_115 : i32
      %add3A_372 = arith.constant 0 : i32
      %add3A_373 = arith.addi %add3A_371, %add3A_372 : i32
      %dma_wait3A_374 = arith.constant 0 : i32
      %dma_wait3A_375 = arith.constant 0 : i32
      %dma_wait3A_376 = arith.constant 0 : i32
      %dma_wait3A_377 = arith.constant 0 : i32
      %dma_wait3A_378 = tpu.memref_slice %arg6[%dma_wait3A_374, %dma_wait3A_376, %dma_wait3A_377] : memref<8x128x64xf32, #tpu.memory_space<vmem>> -> memref<1x128x64xf32, #tpu.memory_space<vmem>>
      %dma_wait3A_379 = tpu.memref_squeeze %dma_wait3A_378 : memref<1x128x64xf32, #tpu.memory_space<vmem>> -> memref<128x64xf32, #tpu.memory_space<vmem>>
      %dma_wait3A_380 = arith.constant 0 : i32
      %dma_wait3A_381 = tpu.memref_slice %arg4[%add3A_373, %dma_wait3A_380] : memref<819200x64xf32, #tpu.memory_space<hbm>> -> memref<128x64xf32, #tpu.memory_space<hbm>>
      %dma_wait3A_382 = tpu.memref_slice %arg8[%dma_wait3A_375] : memref<8x!tpu.dma_semaphore, #tpu.memory_space<semaphore_mem>> -> memref<1x!tpu.dma_semaphore, #tpu.memory_space<semaphore_mem>>
      %dma_wait3A_383 = tpu.memref_squeeze %dma_wait3A_382 : memref<1x!tpu.dma_semaphore, #tpu.memory_space<semaphore_mem>> -> memref<!tpu.dma_semaphore, #tpu.memory_space<semaphore_mem>>
      %dma_wait3A_384 = arith.constant 0 : i32
      %dma_wait3A_385 = tpu.memref_slice %arg4[%add3A_373, %dma_wait3A_384] : memref<819200x64xf32, #tpu.memory_space<hbm>> -> memref<128x64xf32, #tpu.memory_space<hbm>>
      %dma_wait3A_386 = arith.constant 0 : i32
      %dma_wait3A_387 = arith.constant 0 : i32
      %dma_wait3A_388 = tpu.memref_slice %arg6[%dma_wait3A_374, %dma_wait3A_386, %dma_wait3A_387] : memref<8x128x64xf32, #tpu.memory_space<vmem>> -> memref<1x128x64xf32, #tpu.memory_space<vmem>>
      %dma_wait3A_389 = tpu.memref_squeeze %dma_wait3A_388 : memref<1x128x64xf32, #tpu.memory_space<vmem>> -> memref<128x64xf32, #tpu.memory_space<vmem>>
      tpu.wait_dma2 semaphore(%dma_wait3A_383 : memref<!tpu.dma_semaphore, #tpu.memory_space<semaphore_mem>>) src(%dma_wait3A_389 : memref<128x64xf32, #tpu.memory_space<vmem>>) dst(%dma_wait3A_385 : memref<128x64xf32, #tpu.memory_space<hbm>>)
      %add3A_390 = arith.constant 1 : i32
      %add3A_391 = arith.addi %scan3A_111, %add3A_390 : i32
      %lt3A = arith.constant 25 : i32
      %lt3A_392 = arith.cmpi slt, %add3A_391, %lt3A : i32
      %convert_element_type3A = arith.extui %lt3A_392 : i1 to i32
      %cond3A = arith.constant 0 : i32
      %cond3A_393 = arith.cmpi ne, %convert_element_type3A, %cond3A : i32
      scf.if %cond3A_393 {
        %add3A_576 = arith.constant 1024 : i32
        %add3A_577 = arith.addi %mul3A_115, %add3A_576 : i32
        %dma_start3A_578 = arith.constant 0 : i32
        %dma_start3A_579 = arith.constant 0 : i32
        %dma_start3A_580 = arith.constant 0 : i32
        %dma_start3A_581 = arith.constant 0 : i32
        %dma_start3A_582 = tpu.memref_slice %arg6[%dma_start3A_578, %dma_start3A_580, %dma_start3A_581] : memref<8x128x64xf32, #tpu.memory_space<vmem>> -> memref<1x128x64xf32, #tpu.memory_space<vmem>>
        %dma_start3A_583 = tpu.memref_squeeze %dma_start3A_582 : memref<1x128x64xf32, #tpu.memory_space<vmem>> -> memref<128x64xf32, #tpu.memory_space<vmem>>
        %dma_start3A_584 = tpu.memref_slice %arg5[%add3A_577] : memref<25600xi32, #tpu.memory_space<vmem>> -> memref<128xi32, #tpu.memory_space<vmem>>
        %dma_start3A_585 = arith.constant 0 : i32
        %dma_start3A_586 = arith.constant 0 : i32
        %dma_start3A_587 = tpu.memref_slice %arg3[%dma_start3A_585, %dma_start3A_586] : memref<1000000x64xf32, #tpu.memory_space<hbm>> -> memref<1000000x64xf32, #tpu.memory_space<hbm>>
        %dma_start3A_588 = tpu.memref_slice %arg7[%dma_start3A_579] : memref<8x!tpu.dma_semaphore, #tpu.memory_space<semaphore_mem>> -> memref<1x!tpu.dma_semaphore, #tpu.memory_space<semaphore_mem>>
        %dma_start3A_589 = tpu.memref_squeeze %dma_start3A_588 : memref<1x!tpu.dma_semaphore, #tpu.memory_space<semaphore_mem>> -> memref<!tpu.dma_semaphore, #tpu.memory_space<semaphore_mem>>
        tpu.enqueue_indirect_dma source(%dma_start3A_587 : memref<1000000x64xf32, #tpu.memory_space<hbm>>) target(%dma_start3A_583 : memref<128x64xf32, #tpu.memory_space<vmem>>) offsets(%dma_start3A_584 : memref<128xi32, #tpu.memory_space<vmem>>) semaphore(%dma_start3A_589 : memref<!tpu.dma_semaphore, #tpu.memory_space<semaphore_mem>>)
      } else {
      }
      %add3A_394 = arith.addi %mul3A_2, %mul3A_115 : i32
      %add3A_395 = arith.constant 128 : i32
      %add3A_396 = arith.addi %add3A_394, %add3A_395 : i32
      %dma_wait3A_397 = arith.constant 1 : i32
      %dma_wait3A_398 = arith.constant 1 : i32
      %dma_wait3A_399 = arith.constant 0 : i32
      %dma_wait3A_400 = arith.constant 0 : i32
      %dma_wait3A_401 = tpu.memref_slice %arg6[%dma_wait3A_397, %dma_wait3A_399, %dma_wait3A_400] : memref<8x128x64xf32, #tpu.memory_space<vmem>> -> memref<1x128x64xf32, #tpu.memory_space<vmem>>
      %dma_wait3A_402 = tpu.memref_squeeze %dma_wait3A_401 : memref<1x128x64xf32, #tpu.memory_space<vmem>> -> memref<128x64xf32, #tpu.memory_space<vmem>>
      %dma_wait3A_403 = arith.constant 0 : i32
      %dma_wait3A_404 = tpu.memref_slice %arg4[%add3A_396, %dma_wait3A_403] : memref<819200x64xf32, #tpu.memory_space<hbm>> -> memref<128x64xf32, #tpu.memory_space<hbm>>
      %dma_wait3A_405 = tpu.memref_slice %arg8[%dma_wait3A_398] : memref<8x!tpu.dma_semaphore, #tpu.memory_space<semaphore_mem>> -> memref<1x!tpu.dma_semaphore, #tpu.memory_space<semaphore_mem>>
      %dma_wait3A_406 = tpu.memref_squeeze %dma_wait3A_405 : memref<1x!tpu.dma_semaphore, #tpu.memory_space<semaphore_mem>> -> memref<!tpu.dma_semaphore, #tpu.memory_space<semaphore_mem>>
      %dma_wait3A_407 = arith.constant 0 : i32
      %dma_wait3A_408 = tpu.memref_slice %arg4[%add3A_396, %dma_wait3A_407] : memref<819200x64xf32, #tpu.memory_space<hbm>> -> memref<128x64xf32, #tpu.memory_space<hbm>>
      %dma_wait3A_409 = arith.constant 0 : i32
      %dma_wait3A_410 = arith.constant 0 : i32
      %dma_wait3A_411 = tpu.memref_slice %arg6[%dma_wait3A_397, %dma_wait3A_409, %dma_wait3A_410] : memref<8x128x64xf32, #tpu.memory_space<vmem>> -> memref<1x128x64xf32, #tpu.memory_space<vmem>>
      %dma_wait3A_412 = tpu.memref_squeeze %dma_wait3A_411 : memref<1x128x64xf32, #tpu.memory_space<vmem>> -> memref<128x64xf32, #tpu.memory_space<vmem>>
      tpu.wait_dma2 semaphore(%dma_wait3A_406 : memref<!tpu.dma_semaphore, #tpu.memory_space<semaphore_mem>>) src(%dma_wait3A_412 : memref<128x64xf32, #tpu.memory_space<vmem>>) dst(%dma_wait3A_408 : memref<128x64xf32, #tpu.memory_space<hbm>>)
      %add3A_413 = arith.constant 1 : i32
      %add3A_414 = arith.addi %scan3A_111, %add3A_413 : i32
      %lt3A_415 = arith.constant 25 : i32
      %lt3A_416 = arith.cmpi slt, %add3A_414, %lt3A_415 : i32
      %convert_element_type3A_417 = arith.extui %lt3A_416 : i1 to i32
      %cond3A_418 = arith.constant 0 : i32
      %cond3A_419 = arith.cmpi ne, %convert_element_type3A_417, %cond3A_418 : i32
      scf.if %cond3A_419 {
        %add3A_576 = arith.constant 1152 : i32
        %add3A_577 = arith.addi %mul3A_115, %add3A_576 : i32
        %dma_start3A_578 = arith.constant 1 : i32
        %dma_start3A_579 = arith.constant 1 : i32
        %dma_start3A_580 = arith.constant 0 : i32
        %dma_start3A_581 = arith.constant 0 : i32
        %dma_start3A_582 = tpu.memref_slice %arg6[%dma_start3A_578, %dma_start3A_580, %dma_start3A_581] : memref<8x128x64xf32, #tpu.memory_space<vmem>> -> memref<1x128x64xf32, #tpu.memory_space<vmem>>
        %dma_start3A_583 = tpu.memref_squeeze %dma_start3A_582 : memref<1x128x64xf32, #tpu.memory_space<vmem>> -> memref<128x64xf32, #tpu.memory_space<vmem>>
        %dma_start3A_584 = tpu.memref_slice %arg5[%add3A_577] : memref<25600xi32, #tpu.memory_space<vmem>> -> memref<128xi32, #tpu.memory_space<vmem>>
        %dma_start3A_585 = arith.constant 0 : i32
        %dma_start3A_586 = arith.constant 0 : i32
        %dma_start3A_587 = tpu.memref_slice %arg3[%dma_start3A_585, %dma_start3A_586] : memref<1000000x64xf32, #tpu.memory_space<hbm>> -> memref<1000000x64xf32, #tpu.memory_space<hbm>>
        %dma_start3A_588 = tpu.memref_slice %arg7[%dma_start3A_579] : memref<8x!tpu.dma_semaphore, #tpu.memory_space<semaphore_mem>> -> memref<1x!tpu.dma_semaphore, #tpu.memory_space<semaphore_mem>>
        %dma_start3A_589 = tpu.memref_squeeze %dma_start3A_588 : memref<1x!tpu.dma_semaphore, #tpu.memory_space<semaphore_mem>> -> memref<!tpu.dma_semaphore, #tpu.memory_space<semaphore_mem>>
        tpu.enqueue_indirect_dma source(%dma_start3A_587 : memref<1000000x64xf32, #tpu.memory_space<hbm>>) target(%dma_start3A_583 : memref<128x64xf32, #tpu.memory_space<vmem>>) offsets(%dma_start3A_584 : memref<128xi32, #tpu.memory_space<vmem>>) semaphore(%dma_start3A_589 : memref<!tpu.dma_semaphore, #tpu.memory_space<semaphore_mem>>)
      } else {
      }
      %add3A_420 = arith.addi %mul3A_2, %mul3A_115 : i32
      %add3A_421 = arith.constant 256 : i32
      %add3A_422 = arith.addi %add3A_420, %add3A_421 : i32
      %dma_wait3A_423 = arith.constant 2 : i32
      %dma_wait3A_424 = arith.constant 2 : i32
      %dma_wait3A_425 = arith.constant 0 : i32
      %dma_wait3A_426 = arith.constant 0 : i32
      %dma_wait3A_427 = tpu.memref_slice %arg6[%dma_wait3A_423, %dma_wait3A_425, %dma_wait3A_426] : memref<8x128x64xf32, #tpu.memory_space<vmem>> -> memref<1x128x64xf32, #tpu.memory_space<vmem>>
      %dma_wait3A_428 = tpu.memref_squeeze %dma_wait3A_427 : memref<1x128x64xf32, #tpu.memory_space<vmem>> -> memref<128x64xf32, #tpu.memory_space<vmem>>
      %dma_wait3A_429 = arith.constant 0 : i32
      %dma_wait3A_430 = tpu.memref_slice %arg4[%add3A_422, %dma_wait3A_429] : memref<819200x64xf32, #tpu.memory_space<hbm>> -> memref<128x64xf32, #tpu.memory_space<hbm>>
      %dma_wait3A_431 = tpu.memref_slice %arg8[%dma_wait3A_424] : memref<8x!tpu.dma_semaphore, #tpu.memory_space<semaphore_mem>> -> memref<1x!tpu.dma_semaphore, #tpu.memory_space<semaphore_mem>>
      %dma_wait3A_432 = tpu.memref_squeeze %dma_wait3A_431 : memref<1x!tpu.dma_semaphore, #tpu.memory_space<semaphore_mem>> -> memref<!tpu.dma_semaphore, #tpu.memory_space<semaphore_mem>>
      %dma_wait3A_433 = arith.constant 0 : i32
      %dma_wait3A_434 = tpu.memref_slice %arg4[%add3A_422, %dma_wait3A_433] : memref<819200x64xf32, #tpu.memory_space<hbm>> -> memref<128x64xf32, #tpu.memory_space<hbm>>
      %dma_wait3A_435 = arith.constant 0 : i32
      %dma_wait3A_436 = arith.constant 0 : i32
      %dma_wait3A_437 = tpu.memref_slice %arg6[%dma_wait3A_423, %dma_wait3A_435, %dma_wait3A_436] : memref<8x128x64xf32, #tpu.memory_space<vmem>> -> memref<1x128x64xf32, #tpu.memory_space<vmem>>
      %dma_wait3A_438 = tpu.memref_squeeze %dma_wait3A_437 : memref<1x128x64xf32, #tpu.memory_space<vmem>> -> memref<128x64xf32, #tpu.memory_space<vmem>>
      tpu.wait_dma2 semaphore(%dma_wait3A_432 : memref<!tpu.dma_semaphore, #tpu.memory_space<semaphore_mem>>) src(%dma_wait3A_438 : memref<128x64xf32, #tpu.memory_space<vmem>>) dst(%dma_wait3A_434 : memref<128x64xf32, #tpu.memory_space<hbm>>)
      %add3A_439 = arith.constant 1 : i32
      %add3A_440 = arith.addi %scan3A_111, %add3A_439 : i32
      %lt3A_441 = arith.constant 25 : i32
      %lt3A_442 = arith.cmpi slt, %add3A_440, %lt3A_441 : i32
      %convert_element_type3A_443 = arith.extui %lt3A_442 : i1 to i32
      %cond3A_444 = arith.constant 0 : i32
      %cond3A_445 = arith.cmpi ne, %convert_element_type3A_443, %cond3A_444 : i32
      scf.if %cond3A_445 {
        %add3A_576 = arith.constant 1280 : i32
        %add3A_577 = arith.addi %mul3A_115, %add3A_576 : i32
        %dma_start3A_578 = arith.constant 2 : i32
        %dma_start3A_579 = arith.constant 2 : i32
        %dma_start3A_580 = arith.constant 0 : i32
        %dma_start3A_581 = arith.constant 0 : i32
        %dma_start3A_582 = tpu.memref_slice %arg6[%dma_start3A_578, %dma_start3A_580, %dma_start3A_581] : memref<8x128x64xf32, #tpu.memory_space<vmem>> -> memref<1x128x64xf32, #tpu.memory_space<vmem>>
        %dma_start3A_583 = tpu.memref_squeeze %dma_start3A_582 : memref<1x128x64xf32, #tpu.memory_space<vmem>> -> memref<128x64xf32, #tpu.memory_space<vmem>>
        %dma_start3A_584 = tpu.memref_slice %arg5[%add3A_577] : memref<25600xi32, #tpu.memory_space<vmem>> -> memref<128xi32, #tpu.memory_space<vmem>>
        %dma_start3A_585 = arith.constant 0 : i32
        %dma_start3A_586 = arith.constant 0 : i32
        %dma_start3A_587 = tpu.memref_slice %arg3[%dma_start3A_585, %dma_start3A_586] : memref<1000000x64xf32, #tpu.memory_space<hbm>> -> memref<1000000x64xf32, #tpu.memory_space<hbm>>
        %dma_start3A_588 = tpu.memref_slice %arg7[%dma_start3A_579] : memref<8x!tpu.dma_semaphore, #tpu.memory_space<semaphore_mem>> -> memref<1x!tpu.dma_semaphore, #tpu.memory_space<semaphore_mem>>
        %dma_start3A_589 = tpu.memref_squeeze %dma_start3A_588 : memref<1x!tpu.dma_semaphore, #tpu.memory_space<semaphore_mem>> -> memref<!tpu.dma_semaphore, #tpu.memory_space<semaphore_mem>>
        tpu.enqueue_indirect_dma source(%dma_start3A_587 : memref<1000000x64xf32, #tpu.memory_space<hbm>>) target(%dma_start3A_583 : memref<128x64xf32, #tpu.memory_space<vmem>>) offsets(%dma_start3A_584 : memref<128xi32, #tpu.memory_space<vmem>>) semaphore(%dma_start3A_589 : memref<!tpu.dma_semaphore, #tpu.memory_space<semaphore_mem>>)
      } else {
      }
      %add3A_446 = arith.addi %mul3A_2, %mul3A_115 : i32
      %add3A_447 = arith.constant 384 : i32
      %add3A_448 = arith.addi %add3A_446, %add3A_447 : i32
      %dma_wait3A_449 = arith.constant 3 : i32
      %dma_wait3A_450 = arith.constant 3 : i32
      %dma_wait3A_451 = arith.constant 0 : i32
      %dma_wait3A_452 = arith.constant 0 : i32
      %dma_wait3A_453 = tpu.memref_slice %arg6[%dma_wait3A_449, %dma_wait3A_451, %dma_wait3A_452] : memref<8x128x64xf32, #tpu.memory_space<vmem>> -> memref<1x128x64xf32, #tpu.memory_space<vmem>>
      %dma_wait3A_454 = tpu.memref_squeeze %dma_wait3A_453 : memref<1x128x64xf32, #tpu.memory_space<vmem>> -> memref<128x64xf32, #tpu.memory_space<vmem>>
      %dma_wait3A_455 = arith.constant 0 : i32
      %dma_wait3A_456 = tpu.memref_slice %arg4[%add3A_448, %dma_wait3A_455] : memref<819200x64xf32, #tpu.memory_space<hbm>> -> memref<128x64xf32, #tpu.memory_space<hbm>>
      %dma_wait3A_457 = tpu.memref_slice %arg8[%dma_wait3A_450] : memref<8x!tpu.dma_semaphore, #tpu.memory_space<semaphore_mem>> -> memref<1x!tpu.dma_semaphore, #tpu.memory_space<semaphore_mem>>
      %dma_wait3A_458 = tpu.memref_squeeze %dma_wait3A_457 : memref<1x!tpu.dma_semaphore, #tpu.memory_space<semaphore_mem>> -> memref<!tpu.dma_semaphore, #tpu.memory_space<semaphore_mem>>
      %dma_wait3A_459 = arith.constant 0 : i32
      %dma_wait3A_460 = tpu.memref_slice %arg4[%add3A_448, %dma_wait3A_459] : memref<819200x64xf32, #tpu.memory_space<hbm>> -> memref<128x64xf32, #tpu.memory_space<hbm>>
      %dma_wait3A_461 = arith.constant 0 : i32
      %dma_wait3A_462 = arith.constant 0 : i32
      %dma_wait3A_463 = tpu.memref_slice %arg6[%dma_wait3A_449, %dma_wait3A_461, %dma_wait3A_462] : memref<8x128x64xf32, #tpu.memory_space<vmem>> -> memref<1x128x64xf32, #tpu.memory_space<vmem>>
      %dma_wait3A_464 = tpu.memref_squeeze %dma_wait3A_463 : memref<1x128x64xf32, #tpu.memory_space<vmem>> -> memref<128x64xf32, #tpu.memory_space<vmem>>
      tpu.wait_dma2 semaphore(%dma_wait3A_458 : memref<!tpu.dma_semaphore, #tpu.memory_space<semaphore_mem>>) src(%dma_wait3A_464 : memref<128x64xf32, #tpu.memory_space<vmem>>) dst(%dma_wait3A_460 : memref<128x64xf32, #tpu.memory_space<hbm>>)
      %add3A_465 = arith.constant 1 : i32
      %add3A_466 = arith.addi %scan3A_111, %add3A_465 : i32
      %lt3A_467 = arith.constant 25 : i32
      %lt3A_468 = arith.cmpi slt, %add3A_466, %lt3A_467 : i32
      %convert_element_type3A_469 = arith.extui %lt3A_468 : i1 to i32
      %cond3A_470 = arith.constant 0 : i32
      %cond3A_471 = arith.cmpi ne, %convert_element_type3A_469, %cond3A_470 : i32
      scf.if %cond3A_471 {
        %add3A_576 = arith.constant 1408 : i32
        %add3A_577 = arith.addi %mul3A_115, %add3A_576 : i32
        %dma_start3A_578 = arith.constant 3 : i32
        %dma_start3A_579 = arith.constant 3 : i32
        %dma_start3A_580 = arith.constant 0 : i32
        %dma_start3A_581 = arith.constant 0 : i32
        %dma_start3A_582 = tpu.memref_slice %arg6[%dma_start3A_578, %dma_start3A_580, %dma_start3A_581] : memref<8x128x64xf32, #tpu.memory_space<vmem>> -> memref<1x128x64xf32, #tpu.memory_space<vmem>>
        %dma_start3A_583 = tpu.memref_squeeze %dma_start3A_582 : memref<1x128x64xf32, #tpu.memory_space<vmem>> -> memref<128x64xf32, #tpu.memory_space<vmem>>
        %dma_start3A_584 = tpu.memref_slice %arg5[%add3A_577] : memref<25600xi32, #tpu.memory_space<vmem>> -> memref<128xi32, #tpu.memory_space<vmem>>
        %dma_start3A_585 = arith.constant 0 : i32
        %dma_start3A_586 = arith.constant 0 : i32
        %dma_start3A_587 = tpu.memref_slice %arg3[%dma_start3A_585, %dma_start3A_586] : memref<1000000x64xf32, #tpu.memory_space<hbm>> -> memref<1000000x64xf32, #tpu.memory_space<hbm>>
        %dma_start3A_588 = tpu.memref_slice %arg7[%dma_start3A_579] : memref<8x!tpu.dma_semaphore, #tpu.memory_space<semaphore_mem>> -> memref<1x!tpu.dma_semaphore, #tpu.memory_space<semaphore_mem>>
        %dma_start3A_589 = tpu.memref_squeeze %dma_start3A_588 : memref<1x!tpu.dma_semaphore, #tpu.memory_space<semaphore_mem>> -> memref<!tpu.dma_semaphore, #tpu.memory_space<semaphore_mem>>
        tpu.enqueue_indirect_dma source(%dma_start3A_587 : memref<1000000x64xf32, #tpu.memory_space<hbm>>) target(%dma_start3A_583 : memref<128x64xf32, #tpu.memory_space<vmem>>) offsets(%dma_start3A_584 : memref<128xi32, #tpu.memory_space<vmem>>) semaphore(%dma_start3A_589 : memref<!tpu.dma_semaphore, #tpu.memory_space<semaphore_mem>>)
      } else {
      }
      %add3A_472 = arith.addi %mul3A_2, %mul3A_115 : i32
      %add3A_473 = arith.constant 512 : i32
      %add3A_474 = arith.addi %add3A_472, %add3A_473 : i32
      %dma_wait3A_475 = arith.constant 4 : i32
      %dma_wait3A_476 = arith.constant 4 : i32
      %dma_wait3A_477 = arith.constant 0 : i32
      %dma_wait3A_478 = arith.constant 0 : i32
      %dma_wait3A_479 = tpu.memref_slice %arg6[%dma_wait3A_475, %dma_wait3A_477, %dma_wait3A_478] : memref<8x128x64xf32, #tpu.memory_space<vmem>> -> memref<1x128x64xf32, #tpu.memory_space<vmem>>
      %dma_wait3A_480 = tpu.memref_squeeze %dma_wait3A_479 : memref<1x128x64xf32, #tpu.memory_space<vmem>> -> memref<128x64xf32, #tpu.memory_space<vmem>>
      %dma_wait3A_481 = arith.constant 0 : i32
      %dma_wait3A_482 = tpu.memref_slice %arg4[%add3A_474, %dma_wait3A_481] : memref<819200x64xf32, #tpu.memory_space<hbm>> -> memref<128x64xf32, #tpu.memory_space<hbm>>
      %dma_wait3A_483 = tpu.memref_slice %arg8[%dma_wait3A_476] : memref<8x!tpu.dma_semaphore, #tpu.memory_space<semaphore_mem>> -> memref<1x!tpu.dma_semaphore, #tpu.memory_space<semaphore_mem>>
      %dma_wait3A_484 = tpu.memref_squeeze %dma_wait3A_483 : memref<1x!tpu.dma_semaphore, #tpu.memory_space<semaphore_mem>> -> memref<!tpu.dma_semaphore, #tpu.memory_space<semaphore_mem>>
      %dma_wait3A_485 = arith.constant 0 : i32
      %dma_wait3A_486 = tpu.memref_slice %arg4[%add3A_474, %dma_wait3A_485] : memref<819200x64xf32, #tpu.memory_space<hbm>> -> memref<128x64xf32, #tpu.memory_space<hbm>>
      %dma_wait3A_487 = arith.constant 0 : i32
      %dma_wait3A_488 = arith.constant 0 : i32
      %dma_wait3A_489 = tpu.memref_slice %arg6[%dma_wait3A_475, %dma_wait3A_487, %dma_wait3A_488] : memref<8x128x64xf32, #tpu.memory_space<vmem>> -> memref<1x128x64xf32, #tpu.memory_space<vmem>>
      %dma_wait3A_490 = tpu.memref_squeeze %dma_wait3A_489 : memref<1x128x64xf32, #tpu.memory_space<vmem>> -> memref<128x64xf32, #tpu.memory_space<vmem>>
      tpu.wait_dma2 semaphore(%dma_wait3A_484 : memref<!tpu.dma_semaphore, #tpu.memory_space<semaphore_mem>>) src(%dma_wait3A_490 : memref<128x64xf32, #tpu.memory_space<vmem>>) dst(%dma_wait3A_486 : memref<128x64xf32, #tpu.memory_space<hbm>>)
      %add3A_491 = arith.constant 1 : i32
      %add3A_492 = arith.addi %scan3A_111, %add3A_491 : i32
      %lt3A_493 = arith.constant 25 : i32
      %lt3A_494 = arith.cmpi slt, %add3A_492, %lt3A_493 : i32
      %convert_element_type3A_495 = arith.extui %lt3A_494 : i1 to i32
      %cond3A_496 = arith.constant 0 : i32
      %cond3A_497 = arith.cmpi ne, %convert_element_type3A_495, %cond3A_496 : i32
      scf.if %cond3A_497 {
        %add3A_576 = arith.constant 1536 : i32
        %add3A_577 = arith.addi %mul3A_115, %add3A_576 : i32
        %dma_start3A_578 = arith.constant 4 : i32
        %dma_start3A_579 = arith.constant 4 : i32
        %dma_start3A_580 = arith.constant 0 : i32
        %dma_start3A_581 = arith.constant 0 : i32
        %dma_start3A_582 = tpu.memref_slice %arg6[%dma_start3A_578, %dma_start3A_580, %dma_start3A_581] : memref<8x128x64xf32, #tpu.memory_space<vmem>> -> memref<1x128x64xf32, #tpu.memory_space<vmem>>
        %dma_start3A_583 = tpu.memref_squeeze %dma_start3A_582 : memref<1x128x64xf32, #tpu.memory_space<vmem>> -> memref<128x64xf32, #tpu.memory_space<vmem>>
        %dma_start3A_584 = tpu.memref_slice %arg5[%add3A_577] : memref<25600xi32, #tpu.memory_space<vmem>> -> memref<128xi32, #tpu.memory_space<vmem>>
        %dma_start3A_585 = arith.constant 0 : i32
        %dma_start3A_586 = arith.constant 0 : i32
        %dma_start3A_587 = tpu.memref_slice %arg3[%dma_start3A_585, %dma_start3A_586] : memref<1000000x64xf32, #tpu.memory_space<hbm>> -> memref<1000000x64xf32, #tpu.memory_space<hbm>>
        %dma_start3A_588 = tpu.memref_slice %arg7[%dma_start3A_579] : memref<8x!tpu.dma_semaphore, #tpu.memory_space<semaphore_mem>> -> memref<1x!tpu.dma_semaphore, #tpu.memory_space<semaphore_mem>>
        %dma_start3A_589 = tpu.memref_squeeze %dma_start3A_588 : memref<1x!tpu.dma_semaphore, #tpu.memory_space<semaphore_mem>> -> memref<!tpu.dma_semaphore, #tpu.memory_space<semaphore_mem>>
        tpu.enqueue_indirect_dma source(%dma_start3A_587 : memref<1000000x64xf32, #tpu.memory_space<hbm>>) target(%dma_start3A_583 : memref<128x64xf32, #tpu.memory_space<vmem>>) offsets(%dma_start3A_584 : memref<128xi32, #tpu.memory_space<vmem>>) semaphore(%dma_start3A_589 : memref<!tpu.dma_semaphore, #tpu.memory_space<semaphore_mem>>)
      } else {
      }
      %add3A_498 = arith.addi %mul3A_2, %mul3A_115 : i32
      %add3A_499 = arith.constant 640 : i32
      %add3A_500 = arith.addi %add3A_498, %add3A_499 : i32
      %dma_wait3A_501 = arith.constant 5 : i32
      %dma_wait3A_502 = arith.constant 5 : i32
      %dma_wait3A_503 = arith.constant 0 : i32
      %dma_wait3A_504 = arith.constant 0 : i32
      %dma_wait3A_505 = tpu.memref_slice %arg6[%dma_wait3A_501, %dma_wait3A_503, %dma_wait3A_504] : memref<8x128x64xf32, #tpu.memory_space<vmem>> -> memref<1x128x64xf32, #tpu.memory_space<vmem>>
      %dma_wait3A_506 = tpu.memref_squeeze %dma_wait3A_505 : memref<1x128x64xf32, #tpu.memory_space<vmem>> -> memref<128x64xf32, #tpu.memory_space<vmem>>
      %dma_wait3A_507 = arith.constant 0 : i32
      %dma_wait3A_508 = tpu.memref_slice %arg4[%add3A_500, %dma_wait3A_507] : memref<819200x64xf32, #tpu.memory_space<hbm>> -> memref<128x64xf32, #tpu.memory_space<hbm>>
      %dma_wait3A_509 = tpu.memref_slice %arg8[%dma_wait3A_502] : memref<8x!tpu.dma_semaphore, #tpu.memory_space<semaphore_mem>> -> memref<1x!tpu.dma_semaphore, #tpu.memory_space<semaphore_mem>>
      %dma_wait3A_510 = tpu.memref_squeeze %dma_wait3A_509 : memref<1x!tpu.dma_semaphore, #tpu.memory_space<semaphore_mem>> -> memref<!tpu.dma_semaphore, #tpu.memory_space<semaphore_mem>>
      %dma_wait3A_511 = arith.constant 0 : i32
      %dma_wait3A_512 = tpu.memref_slice %arg4[%add3A_500, %dma_wait3A_511] : memref<819200x64xf32, #tpu.memory_space<hbm>> -> memref<128x64xf32, #tpu.memory_space<hbm>>
      %dma_wait3A_513 = arith.constant 0 : i32
      %dma_wait3A_514 = arith.constant 0 : i32
      %dma_wait3A_515 = tpu.memref_slice %arg6[%dma_wait3A_501, %dma_wait3A_513, %dma_wait3A_514] : memref<8x128x64xf32, #tpu.memory_space<vmem>> -> memref<1x128x64xf32, #tpu.memory_space<vmem>>
      %dma_wait3A_516 = tpu.memref_squeeze %dma_wait3A_515 : memref<1x128x64xf32, #tpu.memory_space<vmem>> -> memref<128x64xf32, #tpu.memory_space<vmem>>
      tpu.wait_dma2 semaphore(%dma_wait3A_510 : memref<!tpu.dma_semaphore, #tpu.memory_space<semaphore_mem>>) src(%dma_wait3A_516 : memref<128x64xf32, #tpu.memory_space<vmem>>) dst(%dma_wait3A_512 : memref<128x64xf32, #tpu.memory_space<hbm>>)
      %add3A_517 = arith.constant 1 : i32
      %add3A_518 = arith.addi %scan3A_111, %add3A_517 : i32
      %lt3A_519 = arith.constant 25 : i32
      %lt3A_520 = arith.cmpi slt, %add3A_518, %lt3A_519 : i32
      %convert_element_type3A_521 = arith.extui %lt3A_520 : i1 to i32
      %cond3A_522 = arith.constant 0 : i32
      %cond3A_523 = arith.cmpi ne, %convert_element_type3A_521, %cond3A_522 : i32
      scf.if %cond3A_523 {
        %add3A_576 = arith.constant 1664 : i32
        %add3A_577 = arith.addi %mul3A_115, %add3A_576 : i32
        %dma_start3A_578 = arith.constant 5 : i32
        %dma_start3A_579 = arith.constant 5 : i32
        %dma_start3A_580 = arith.constant 0 : i32
        %dma_start3A_581 = arith.constant 0 : i32
        %dma_start3A_582 = tpu.memref_slice %arg6[%dma_start3A_578, %dma_start3A_580, %dma_start3A_581] : memref<8x128x64xf32, #tpu.memory_space<vmem>> -> memref<1x128x64xf32, #tpu.memory_space<vmem>>
        %dma_start3A_583 = tpu.memref_squeeze %dma_start3A_582 : memref<1x128x64xf32, #tpu.memory_space<vmem>> -> memref<128x64xf32, #tpu.memory_space<vmem>>
        %dma_start3A_584 = tpu.memref_slice %arg5[%add3A_577] : memref<25600xi32, #tpu.memory_space<vmem>> -> memref<128xi32, #tpu.memory_space<vmem>>
        %dma_start3A_585 = arith.constant 0 : i32
        %dma_start3A_586 = arith.constant 0 : i32
        %dma_start3A_587 = tpu.memref_slice %arg3[%dma_start3A_585, %dma_start3A_586] : memref<1000000x64xf32, #tpu.memory_space<hbm>> -> memref<1000000x64xf32, #tpu.memory_space<hbm>>
        %dma_start3A_588 = tpu.memref_slice %arg7[%dma_start3A_579] : memref<8x!tpu.dma_semaphore, #tpu.memory_space<semaphore_mem>> -> memref<1x!tpu.dma_semaphore, #tpu.memory_space<semaphore_mem>>
        %dma_start3A_589 = tpu.memref_squeeze %dma_start3A_588 : memref<1x!tpu.dma_semaphore, #tpu.memory_space<semaphore_mem>> -> memref<!tpu.dma_semaphore, #tpu.memory_space<semaphore_mem>>
        tpu.enqueue_indirect_dma source(%dma_start3A_587 : memref<1000000x64xf32, #tpu.memory_space<hbm>>) target(%dma_start3A_583 : memref<128x64xf32, #tpu.memory_space<vmem>>) offsets(%dma_start3A_584 : memref<128xi32, #tpu.memory_space<vmem>>) semaphore(%dma_start3A_589 : memref<!tpu.dma_semaphore, #tpu.memory_space<semaphore_mem>>)
      } else {
      }
      %add3A_524 = arith.addi %mul3A_2, %mul3A_115 : i32
      %add3A_525 = arith.constant 768 : i32
      %add3A_526 = arith.addi %add3A_524, %add3A_525 : i32
      %dma_wait3A_527 = arith.constant 6 : i32
      %dma_wait3A_528 = arith.constant 6 : i32
      %dma_wait3A_529 = arith.constant 0 : i32
      %dma_wait3A_530 = arith.constant 0 : i32
      %dma_wait3A_531 = tpu.memref_slice %arg6[%dma_wait3A_527, %dma_wait3A_529, %dma_wait3A_530] : memref<8x128x64xf32, #tpu.memory_space<vmem>> -> memref<1x128x64xf32, #tpu.memory_space<vmem>>
      %dma_wait3A_532 = tpu.memref_squeeze %dma_wait3A_531 : memref<1x128x64xf32, #tpu.memory_space<vmem>> -> memref<128x64xf32, #tpu.memory_space<vmem>>
      %dma_wait3A_533 = arith.constant 0 : i32
      %dma_wait3A_534 = tpu.memref_slice %arg4[%add3A_526, %dma_wait3A_533] : memref<819200x64xf32, #tpu.memory_space<hbm>> -> memref<128x64xf32, #tpu.memory_space<hbm>>
      %dma_wait3A_535 = tpu.memref_slice %arg8[%dma_wait3A_528] : memref<8x!tpu.dma_semaphore, #tpu.memory_space<semaphore_mem>> -> memref<1x!tpu.dma_semaphore, #tpu.memory_space<semaphore_mem>>
      %dma_wait3A_536 = tpu.memref_squeeze %dma_wait3A_535 : memref<1x!tpu.dma_semaphore, #tpu.memory_space<semaphore_mem>> -> memref<!tpu.dma_semaphore, #tpu.memory_space<semaphore_mem>>
      %dma_wait3A_537 = arith.constant 0 : i32
      %dma_wait3A_538 = tpu.memref_slice %arg4[%add3A_526, %dma_wait3A_537] : memref<819200x64xf32, #tpu.memory_space<hbm>> -> memref<128x64xf32, #tpu.memory_space<hbm>>
      %dma_wait3A_539 = arith.constant 0 : i32
      %dma_wait3A_540 = arith.constant 0 : i32
      %dma_wait3A_541 = tpu.memref_slice %arg6[%dma_wait3A_527, %dma_wait3A_539, %dma_wait3A_540] : memref<8x128x64xf32, #tpu.memory_space<vmem>> -> memref<1x128x64xf32, #tpu.memory_space<vmem>>
      %dma_wait3A_542 = tpu.memref_squeeze %dma_wait3A_541 : memref<1x128x64xf32, #tpu.memory_space<vmem>> -> memref<128x64xf32, #tpu.memory_space<vmem>>
      tpu.wait_dma2 semaphore(%dma_wait3A_536 : memref<!tpu.dma_semaphore, #tpu.memory_space<semaphore_mem>>) src(%dma_wait3A_542 : memref<128x64xf32, #tpu.memory_space<vmem>>) dst(%dma_wait3A_538 : memref<128x64xf32, #tpu.memory_space<hbm>>)
      %add3A_543 = arith.constant 1 : i32
      %add3A_544 = arith.addi %scan3A_111, %add3A_543 : i32
      %lt3A_545 = arith.constant 25 : i32
      %lt3A_546 = arith.cmpi slt, %add3A_544, %lt3A_545 : i32
      %convert_element_type3A_547 = arith.extui %lt3A_546 : i1 to i32
      %cond3A_548 = arith.constant 0 : i32
      %cond3A_549 = arith.cmpi ne, %convert_element_type3A_547, %cond3A_548 : i32
      scf.if %cond3A_549 {
        %add3A_576 = arith.constant 1792 : i32
        %add3A_577 = arith.addi %mul3A_115, %add3A_576 : i32
        %dma_start3A_578 = arith.constant 6 : i32
        %dma_start3A_579 = arith.constant 6 : i32
        %dma_start3A_580 = arith.constant 0 : i32
        %dma_start3A_581 = arith.constant 0 : i32
        %dma_start3A_582 = tpu.memref_slice %arg6[%dma_start3A_578, %dma_start3A_580, %dma_start3A_581] : memref<8x128x64xf32, #tpu.memory_space<vmem>> -> memref<1x128x64xf32, #tpu.memory_space<vmem>>
        %dma_start3A_583 = tpu.memref_squeeze %dma_start3A_582 : memref<1x128x64xf32, #tpu.memory_space<vmem>> -> memref<128x64xf32, #tpu.memory_space<vmem>>
        %dma_start3A_584 = tpu.memref_slice %arg5[%add3A_577] : memref<25600xi32, #tpu.memory_space<vmem>> -> memref<128xi32, #tpu.memory_space<vmem>>
        %dma_start3A_585 = arith.constant 0 : i32
        %dma_start3A_586 = arith.constant 0 : i32
        %dma_start3A_587 = tpu.memref_slice %arg3[%dma_start3A_585, %dma_start3A_586] : memref<1000000x64xf32, #tpu.memory_space<hbm>> -> memref<1000000x64xf32, #tpu.memory_space<hbm>>
        %dma_start3A_588 = tpu.memref_slice %arg7[%dma_start3A_579] : memref<8x!tpu.dma_semaphore, #tpu.memory_space<semaphore_mem>> -> memref<1x!tpu.dma_semaphore, #tpu.memory_space<semaphore_mem>>
        %dma_start3A_589 = tpu.memref_squeeze %dma_start3A_588 : memref<1x!tpu.dma_semaphore, #tpu.memory_space<semaphore_mem>> -> memref<!tpu.dma_semaphore, #tpu.memory_space<semaphore_mem>>
        tpu.enqueue_indirect_dma source(%dma_start3A_587 : memref<1000000x64xf32, #tpu.memory_space<hbm>>) target(%dma_start3A_583 : memref<128x64xf32, #tpu.memory_space<vmem>>) offsets(%dma_start3A_584 : memref<128xi32, #tpu.memory_space<vmem>>) semaphore(%dma_start3A_589 : memref<!tpu.dma_semaphore, #tpu.memory_space<semaphore_mem>>)
      } else {
      }
      %add3A_550 = arith.addi %mul3A_2, %mul3A_115 : i32
      %add3A_551 = arith.constant 896 : i32
      %add3A_552 = arith.addi %add3A_550, %add3A_551 : i32
      %dma_wait3A_553 = arith.constant 7 : i32
      %dma_wait3A_554 = arith.constant 7 : i32
      %dma_wait3A_555 = arith.constant 0 : i32
      %dma_wait3A_556 = arith.constant 0 : i32
      %dma_wait3A_557 = tpu.memref_slice %arg6[%dma_wait3A_553, %dma_wait3A_555, %dma_wait3A_556] : memref<8x128x64xf32, #tpu.memory_space<vmem>> -> memref<1x128x64xf32, #tpu.memory_space<vmem>>
      %dma_wait3A_558 = tpu.memref_squeeze %dma_wait3A_557 : memref<1x128x64xf32, #tpu.memory_space<vmem>> -> memref<128x64xf32, #tpu.memory_space<vmem>>
      %dma_wait3A_559 = arith.constant 0 : i32
      %dma_wait3A_560 = tpu.memref_slice %arg4[%add3A_552, %dma_wait3A_559] : memref<819200x64xf32, #tpu.memory_space<hbm>> -> memref<128x64xf32, #tpu.memory_space<hbm>>
      %dma_wait3A_561 = tpu.memref_slice %arg8[%dma_wait3A_554] : memref<8x!tpu.dma_semaphore, #tpu.memory_space<semaphore_mem>> -> memref<1x!tpu.dma_semaphore, #tpu.memory_space<semaphore_mem>>
      %dma_wait3A_562 = tpu.memref_squeeze %dma_wait3A_561 : memref<1x!tpu.dma_semaphore, #tpu.memory_space<semaphore_mem>> -> memref<!tpu.dma_semaphore, #tpu.memory_space<semaphore_mem>>
      %dma_wait3A_563 = arith.constant 0 : i32
      %dma_wait3A_564 = tpu.memref_slice %arg4[%add3A_552, %dma_wait3A_563] : memref<819200x64xf32, #tpu.memory_space<hbm>> -> memref<128x64xf32, #tpu.memory_space<hbm>>
      %dma_wait3A_565 = arith.constant 0 : i32
      %dma_wait3A_566 = arith.constant 0 : i32
      %dma_wait3A_567 = tpu.memref_slice %arg6[%dma_wait3A_553, %dma_wait3A_565, %dma_wait3A_566] : memref<8x128x64xf32, #tpu.memory_space<vmem>> -> memref<1x128x64xf32, #tpu.memory_space<vmem>>
      %dma_wait3A_568 = tpu.memref_squeeze %dma_wait3A_567 : memref<1x128x64xf32, #tpu.memory_space<vmem>> -> memref<128x64xf32, #tpu.memory_space<vmem>>
      tpu.wait_dma2 semaphore(%dma_wait3A_562 : memref<!tpu.dma_semaphore, #tpu.memory_space<semaphore_mem>>) src(%dma_wait3A_568 : memref<128x64xf32, #tpu.memory_space<vmem>>) dst(%dma_wait3A_564 : memref<128x64xf32, #tpu.memory_space<hbm>>)
      %add3A_569 = arith.constant 1 : i32
      %add3A_570 = arith.addi %scan3A_111, %add3A_569 : i32
      %lt3A_571 = arith.constant 25 : i32
      %lt3A_572 = arith.cmpi slt, %add3A_570, %lt3A_571 : i32
      %convert_element_type3A_573 = arith.extui %lt3A_572 : i1 to i32
      %cond3A_574 = arith.constant 0 : i32
      %cond3A_575 = arith.cmpi ne, %convert_element_type3A_573, %cond3A_574 : i32
      scf.if %cond3A_575 {
        %add3A_576 = arith.constant 1920 : i32
        %add3A_577 = arith.addi %mul3A_115, %add3A_576 : i32
        %dma_start3A_578 = arith.constant 7 : i32
        %dma_start3A_579 = arith.constant 7 : i32
        %dma_start3A_580 = arith.constant 0 : i32
        %dma_start3A_581 = arith.constant 0 : i32
        %dma_start3A_582 = tpu.memref_slice %arg6[%dma_start3A_578, %dma_start3A_580, %dma_start3A_581] : memref<8x128x64xf32, #tpu.memory_space<vmem>> -> memref<1x128x64xf32, #tpu.memory_space<vmem>>
        %dma_start3A_583 = tpu.memref_squeeze %dma_start3A_582 : memref<1x128x64xf32, #tpu.memory_space<vmem>> -> memref<128x64xf32, #tpu.memory_space<vmem>>
        %dma_start3A_584 = tpu.memref_slice %arg5[%add3A_577] : memref<25600xi32, #tpu.memory_space<vmem>> -> memref<128xi32, #tpu.memory_space<vmem>>
        %dma_start3A_585 = arith.constant 0 : i32
        %dma_start3A_586 = arith.constant 0 : i32
        %dma_start3A_587 = tpu.memref_slice %arg3[%dma_start3A_585, %dma_start3A_586] : memref<1000000x64xf32, #tpu.memory_space<hbm>> -> memref<1000000x64xf32, #tpu.memory_space<hbm>>
        %dma_start3A_588 = tpu.memref_slice %arg7[%dma_start3A_579] : memref<8x!tpu.dma_semaphore, #tpu.memory_space<semaphore_mem>> -> memref<1x!tpu.dma_semaphore, #tpu.memory_space<semaphore_mem>>
        %dma_start3A_589 = tpu.memref_squeeze %dma_start3A_588 : memref<1x!tpu.dma_semaphore, #tpu.memory_space<semaphore_mem>> -> memref<!tpu.dma_semaphore, #tpu.memory_space<semaphore_mem>>
        tpu.enqueue_indirect_dma source(%dma_start3A_587 : memref<1000000x64xf32, #tpu.memory_space<hbm>>) target(%dma_start3A_583 : memref<128x64xf32, #tpu.memory_space<vmem>>) offsets(%dma_start3A_584 : memref<128xi32, #tpu.memory_space<vmem>>) semaphore(%dma_start3A_589 : memref<!tpu.dma_semaphore, #tpu.memory_space<semaphore_mem>>)
      } else {
      }
    }
    %scan3A_110 = arith.constant 25 : i32
    return
  }
}

</mosaic_0001>

<sc_bundles>
// kernel: kernel.3.cloned.1.call-start
scs
__scs_entry_jumppad:
0x0: {  	(pc) =	sbr.rel $0x88, $3  }
0x1: {  	(tag) =	ssettag $0x0;
	lr =	simm.s32 $0x1  }
0x2: {  	[smem:$0x3F9F] =	sst lr;
	_ =	strace $0xD0000000  }
0x3: {  	_ = 	snop  }
0x4: {  	_ = 	snop  }
0x5: {  	_ = 	snop  }
0x6: {  	_ = 	snop  }
0x7: {  	_ = 	snop  }
__scs_overlays_trampoline_lowered:
0x8: {  	[smem:$0x3FAE] =	sst s0  }
0x9: {  	[smem:$0x3FAF] =	sst s1  }
0xa: {  	[smem:$0x3FB0] =	sst s2  }
0xb: {  	[smem:$0x3FB1] =	sst s3  }
0xc: {  	[smem:$0x3FB2] =	sst s4  }
0xd: {  	[smem:$0x3FB3] =	sst s5  }
0xe: {  	[smem:$0x3FB4] =	sst s6  }
0xf: {  	[smem:$0x3FB5] =	sst s7  }
0x10: {  	[smem:$0x3FB6] =	sst s8  }
0x11: {  	[smem:$0x3FB7] =	sst s9;
	s0 =	simm.s32 @!p0 $0x0  }
0x12: {  	s1 =	sld [smem:$0x3F9D];
	s0 =	simm.s32 @p0 $0x1  }
0x13: {  	[smem:$0x3FB8] =	sst s0;
	s0 =	simm.s32 @!p1 $0x0  }
0x14: {  	s2 =	sld [smem:$0x3F9C];
	s0 =	simm.s32 @p1 $0x1  }
0x15: {  	[smem:$0x3FB9] =	sst s0;
	s0 =	simm.s32 @!p2 $0x0  }
0x16: {  	s3 =	sld [smem:$0x3FDB];
	s0 =	simm.s32 @p2 $0x1  }
0x17: {  	s4 =	simm.s32 $0x1BF5;
	[smem:$0x3FBB] =	sst s0  }
0x18: {  	s0 =	sld [smem:$0x3F9E];
	_ =	swait.ge [sflag:s4], $0x0  }
0x19: {  	s7 =	sld [smem:$0x3F9F]  }
0x1a: {  	s8 =	sadd.s32 $0xFFFFE003, lr  }
0x1b: {  	s9 =	sadd.s32 $0xFFFFFEF7, lr;
	s5 =	simm.s32 $0xFFFFFFFF;
	p2 =	slt.u32 s8, $0xFFFFF086  }
0x1c: {  	p1 =	slt.u32 s9, $0xF7A;
	s5 =	simm.s32 @!p2 $0x0  }
0x1d: {  	s5 =	simm.s32 @p1 $0x1;
	p0 =	seq.s32 s7, s2  }
0x1e: {  	s7 =	smul.u32 @!p0 $0xF7A, s2;
	p2 =	seq.s32 @!p0 s5, $0x0  }
0x1f: {  	s9 =	smul.u32 $0xF7A, s1;
	s8 =	simm.s32 @!p0 $0x1BF5;
	p2 =	por !p2, p0  }
0x20: {  	[sflag:s8] =	ssyncset.s32 @!p0 $0xFFFFF086;
	s6 =	sadd.s32 @!p0 s3, s7;
	s7 =	simm.s32 @!p0 $0x108  }
0x21: {  	s3 =	sadd.s32 s3, s9;
	s6 =	sadd.s32 @!p0 $0x88, s6;
	s7 =	simm.s32 @p2 $0x1082  }
0x22: {  	[simem:s7], [sflag:s8] =	dma.local @!p0 [hbm:s6], $0xF7A  }
0x23: {  	s9 =	sor.u32 $0xD0000000, s2;
	s6 =	simm.s32 $0x108;
	_ =	swait.ge @!p0 [sflag:s8], $0x0  }
0x24: {  	s3 =	sadd.s32 $0x88, s3;
	s6 =	simm.s32 @!p1 $0x1082;
	[sflag:s4] =	ssyncset.s32 $0xFFFFF086  }
0x25: {  	[simem:s6], [sflag:s4] =	dma.local [hbm:s3], $0xF7A  }
0x26: {  	[smem:$0x3F9F] =	sst s1;
	(tag) =	ssettag s2;
	_ =	strace s9  }
0x27: {  	s1 =	sld [smem:$0x3FAF]  }
0x28: {  	s2 =	sld [smem:$0x3FB0]  }
0x29: {  	s4 =	sld [smem:$0x3FB2]  }
0x2a: {  	p0 =	seq.s32 s5, $0x0;
	s5 =	sld [smem:$0x3FB3]  }
0x2b: {  	s6 =	sld [smem:$0x3FB4]  }
0x2c: {  	s7 =	sld [smem:$0x3FB5]  }
0x2d: {  	s3 =	simm.s32 $0x108;
	s8 =	sld [smem:$0x3FB6]  }
0x2e: {  	s3 =	simm.s32 @!p0 $0x1082;
	s9 =	sld [smem:$0x3FB7]  }
0x2f: {  	lr =	sadd.s32 s0, s3;
	s0 =	sld [smem:$0x3FAE]  }
0x30: {  	s3 =	sld [smem:$0x3FB1]  }
0x31: {  	[smem:$0x3FBA] =	sst s10  }
0x32: {  	s10 =	sld [smem:$0x3FB8];
	_ =	sdelay $0x3  }
0x33: {  	p0 =	seq.s32 s10, $0x1;
	s10 =	sld [smem:$0x3FBA];
	_ =	sdelay $0x3  }
0x34: {  	[smem:$0x3FBA] =	sst s10  }
0x35: {  	s10 =	sld [smem:$0x3FB9];
	_ =	sdelay $0x3  }
0x36: {  	p1 =	seq.s32 s10, $0x1;
	s10 =	sld [smem:$0x3FBA];
	_ =	sdelay $0x3  }
0x37: {  	[smem:$0x3FBA] =	sst s10  }
0x38: {  	s10 =	sld [smem:$0x3FBB]  }
0x39: {  	_ = 	snop;
	(pc) =	sbr.ind lr, $3  }
0x3a: {  	_ = 	snop  }
0x3b: {  	_ = 	snop  }
0x3c: {  	p2 =	seq.s32 s10, $0x1;
	s10 =	sld [smem:$0x3FBA]  }
0x3d: {  	_ =	shalt  }
0x3e: {  	_ =	shalt  }
0x3f: {  	_ =	shalt  }
0x40: {  	_ =	shalt  }
0x41: {  	_ =	shalt  }
0x42: {  	_ =	shalt  }
0x43: {  	_ =	shalt  }
0x44: {  	_ =	shalt  }
0x45: {  	_ =	shalt  }
0x46: {  	_ =	shalt  }
0x47: {  	_ =	shalt  }
0x48: {  	_ =	shalt  }
0x49: {  	_ =	shalt  }
0x4a: {  	_ =	shalt  }
0x4b: {  	_ =	shalt  }
0x4c: {  	_ =	shalt  }
0x4d: {  	_ =	shalt  }
0x4e: {  	_ =	shalt  }
0x4f: {  	_ =	shalt  }
0x50: {  	_ =	shalt  }
0x51: {  	_ =	shalt  }
0x52: {  	_ =	shalt  }
0x53: {  	_ =	shalt  }
0x54: {  	_ =	shalt  }
0x55: {  	_ =	shalt  }
0x56: {  	_ =	shalt  }
0x57: {  	_ =	shalt  }
0x58: {  	_ =	shalt  }
0x59: {  	_ =	shalt  }
0x5a: {  	_ =	shalt  }
0x5b: {  	_ =	shalt  }
0x5c: {  	_ =	shalt  }
0x5d: {  	_ =	shalt  }
0x5e: {  	_ =	shalt  }
0x5f: {  	_ =	shalt  }
0x60: {  	_ =	shalt  }
0x61: {  	_ =	shalt  }
0x62: {  	_ =	shalt  }
0x63: {  	_ =	shalt  }
0x64: {  	_ =	shalt  }
0x65: {  	_ =	shalt  }
0x66: {  	_ =	shalt  }
0x67: {  	_ =	shalt  }
0x68: {  	_ =	shalt  }
0x69: {  	_ =	shalt  }
0x6a: {  	_ =	shalt  }
0x6b: {  	_ =	shalt  }
0x6c: {  	_ =	shalt  }
0x6d: {  	_ =	shalt  }
0x6e: {  	_ =	shalt  }
0x6f: {  	_ =	shalt  }
0x70: {  	_ =	shalt  }
0x71: {  	_ =	shalt  }
0x72: {  	_ =	shalt  }
0x73: {  	_ =	shalt  }
0x74: {  	_ =	shalt  }
0x75: {  	_ =	shalt  }
0x76: {  	_ =	shalt  }
0x77: {  	_ =	shalt  }
0x78: {  	_ =	shalt  }
0x79: {  	_ =	shalt  }
0x7a: {  	_ =	shalt  }
0x7b: {  	_ =	shalt  }
0x7c: {  	_ =	shalt  }
0x7d: {  	_ =	shalt  }
0x7e: {  	_ =	shalt  }
0x7f: {  	_ =	shalt  }
0x80: {  	_ =	shalt  }
0x81: {  	_ =	shalt  }
0x82: {  	_ =	shalt  }
0x83: {  	_ =	shalt  }
0x84: {  	_ =	shalt  }
0x85: {  	_ =	shalt  }
0x86: {  	_ =	shalt  }
0x87: {  	_ =	shalt  }
.Lfunc_end0:
.L_simem_size_0:
called_computation.1_lowered:
.L_overlay_start_0:
0x88: {  	s2 =	sld [smem:$0x3FD9]  }
0x89: {  	s3 =	sld [smem:$0x3FFE];
	_ =	sdelay $0x1  }
0x8a: {  	s1 =	srdreg.scid  }
0x8b: {  	s0 =	sand.u32 $0x1, s1  }
0x8c: {  	s17 =	sshll.u32 s0, $0xA;
	s2 =	sadd.s32 s3, s2  }
0x8d: {  	s2 =	sadd.s32 s2, s17  }
0x8e: {  	[smem:$0x3FC6] =	sst s2  }
0x8f: {  	_ = 	snop  }
0x90: {  	s2 =	sld [smem:$0x3FD0];
	(tm) =	ssettm $0x1  }
0x91: {  	s18 =	sld [smem:$0x3FFB];
	_ =	sdelay $0x3  }
0x92: {  	_ =	strace s18  }
0x93: {  	s3 =	sld [smem:$0x3FFC];
	_ =	sdelay $0x3  }
0x94: {  	_ =	strace s3  }
0x95: {  	s3 =	sld [smem:$0x3FFD];
	_ =	sdelay $0x3  }
0x96: {  	_ =	strace s3  }
0x97: {  	_ =	strace $0x8FFFFFFF  }
0x98: {  	s19 =	sld [smem:$0x3FDB];
	_ =	sdelay $0x1  }
0x99: {  	s4 =	simm.s32 $_scs_section_size  }
0x9a: {  	s5 =	simm.s32 $_size__tile_overlayer_lowered;
	s6 =	simm.s32 $_tile_overlayer_lowered  }
0x9b: {  	s22 =	simm.s32 $0x1BFF;
	s21 =	sshll.u32 s6, $0x1;
	s3 =	sadd.s32 s4, s19  }
0x9c: {  	s7 =	simm.s32 $0x0;
	s20 =	sshll.u32 s5, $0x1;
	s5 =	sadd.s32 s21, s3  }
0x9d: {  	[timem:s7], [sflag:s22] =	dma.local [hbm:s5], s20  }
0x9e: {  	_ =	swait.ge [sflag:s22], s20  }
0x9f: {  	s4 =	ssub.s32 $0x0, s20;
	[sflag:s22] =	ssyncset.done $0x0  }
0xa0: {  	[sflag:s22] =	ssyncadd.s32 s4;
	_ =	sdelay $0x1  }
0xa1: {  	s23 =	simm.s32 $0x1B8B  }
0xa2: {  	_ =	swait.ge [sflag:s23], $0x1  }
0xa3: {  	[sflag:s23] =	ssyncset.done $0x0  }
0xa4: {  	s25 =	simm.s32 $0x1B8E;
	s24 =	sld [smem:$0x3FFE];
	[sflag:s23] =	ssyncadd.s32 $0xFFFFFFFF  }
0xa5: {  	s26 =	simm.s32 $execute0_lowered;
	[smem:$0x3FD2] =	sst s25  }
0xa6: {  	s5 =	sshll.u32 s26, $0x1;
	_ =	strace $0x80000046;
	[dreg:$0x1] =	wrdreg $0xFFFFFFFF  }
0xa7: {  	s28 =	simm.s32 $_size_execute0_lowered;
	s3 =	sadd.s32 s3, s5;
	[dreg:$0x0] =	wrdreg $0x0  }
0xa8: {  	s5 =	sshll.u32 s28, $0x1;
	[dreg:$0x2] =	wrdreg s3  }
0xa9: {  	[dreg:$0x3] =	wrdreg s5  }
0xaa: {  	[dreg:$0x4] =	wrdreg $0xC0  }
0xab: {  	_ =	task [dreg:s7], $0x5FFFF  }
0xac: {  	[dreg:$0x1] =	wrdreg $0xFFFFFFFF  }
0xad: {  	[dreg:$0x0] =	wrdreg $0x60  }
0xae: {  	[dreg:$0x2] =	wrdreg s24  }
0xaf: {  	[dreg:$0x3] =	wrdreg s2  }
0xb0: {  	[dreg:$0x4] =	wrdreg $0x9  }
0xb1: {  	_ =	task.clear_ibuf [dreg:s7], $0x5FFFF;
	_ =	strace $0x90000046  }
0xb2: {  	s29 =	simm.s32 $0x9;
	_ =	strace $0x80000048  }
0xb3: {  	_ =	swait.ge [sflag:s29], $0x1  }
0xb4: {  	[sflag:s29] =	ssyncadd.s32 $0xFFFFFFFF  }
0xb5: {  	_ =	strace $0x90000048  }
0xb6: {  	_ =	sfence  }
0xb7: {  	s30 =	sld [smem:$0x0];
	_ =	sdelay $0x2  }
0xb8: {  	s31 =	sshll.u32 s1, $0xD;
	s1 =	sshrl.u32 s1, $0x2  }
0xb9: {  	s3 =	sand.u32 $0x4000, s31;
	s1 =	sadd.s32 s1, s30  }
0xba: {  	s0 =	sor.u32 s3, s0;
	s1 =	sshll.u32 s1, $0x11  }
0xbb: {  	s0 =	sor.u32 s1, s0  }
0xbc: {  	s0 =	sadd.s32 $0x8F2B, s0  }
0xbd: {  	[sflag:s0] =	ssyncadd.remote.s32 $0x1  }
0xbe: {  	_ =	sfence.sel $0xFFFF  }
0xbf: {  	[dreg:$0x0] =	wrdreg $0xFFFFFFFF;
	(pc) =	sbr.abs _section_cstart, $3  }
0xc0: {  	[dreg:$0x1] =	wrdreg $0xFFFFFFFF  }
0xc1: {  	_ =	task.clear_ibuf [dreg:s7], $0x2FFFF;
	_ =	strace $0x9FFFFFFF  }
0xc2: {  	(tm) =	ssettm $0x7FFFFFFF  }
0xc3: {  	_ =	shalt  }
tec
execute0_lowered:
.L_overlay_start_1:
0x0: {  	(tag) =	ssettag $0x1  }
0x1: {  	s0 =	rddreg [dreg:$0x0];
	s1 =	srdreg.scid  }
0x2: {  	s6 =	stileid.u32;
	s4 =	rddreg [dreg:$0x1];
	s2 =	simm.s32 $0x0  }
0x3: {  	s9 =	simm.s32 $0x6400;
	s10 =	simm.s32 $0x8400;
	s12 =	simm.s32 $0xA400  }
0x4: {  	s14 =	simm.s32 $0xC400;
	s16 =	simm.s32 $0xE400;
	s18 =	simm.s32 $0x10400  }
0x5: {  	s20 =	simm.s32 $0x12400;
	s22 =	simm.s32 $0x14400;
	s23 =	simm.s32 $0x1  }
0x6: {  	s28 =	simm.s32 $0x5;
	s29 =	simm.s32 $0x6;
	s30 =	simm.s32 $0x7  }
0x7: {  	s31 =	simm.s32 $0x8;
	s11 =	simm.s32 $0xB;
	s13 =	simm.s32 $0xC  }
0x8: {  	s15 =	simm.s32 $0xD;
	s17 =	simm.s32 $0xE;
	s19 =	simm.s32 $0xF  }
0x9: {  	s21 =	simm.s32 $0x10;
	s1 =	sand.u32 $0x1, s1;
	s3 =	sshll.u32 s6, $0x1  }
0xa: {  	[smem:$0x7FF] =	sst s2;
	s6 =	smul.u32 $0x64000, s6;
	s3 =	sor.u32 s1, s3  }
0xb: {  	_ =	strace $0x80000047;
	s5 =	ssub.s32 $0x2, s1;
	s1 =	smul.u32 $0x32000, s1  }
0xc: {  	s3 =	smul.u32 $0x6400, s3;
	s8 =	sshrl.u32 s5, $0x1;
	s4 =	sadd.s32 s6, s4  }
0xd: {  	s24 =	ssub.s32 s5, s8;
	s26 =	sadd.s32 s1, s4;
	s8 =	simm.s32 $0x80  }
.Ltmp0:
0xe: {  	s1 =	simm.s32 $0x9;
	s5 =	simm.s32 $0x0;
	(pc) =	sbr.rel .LBB2_1-.Ltmp0, $4  }
0xf: {  	s3 =	sshrl.u32 s3, $0x3;
	[dreg:$0x5] =	wrdreg s26;
	s26 =	simm.s32 $0x4  }
0x10: {  	s7 =	sadd.s32 s3, s0;
	s3 =	sadd.s32 $0xF42E00, s0;
	s0 =	smax.u32 s24, $0x1  }
0x11: {  	s24 =	simm.s32 $0x2;
	s25 =	sadd.s32 $0xA00, s7;
	[dreg:$0x4] =	wrdreg s0  }
0x12: {  	s0 =	simm.s32 $0xA;
	[dreg:$0x3] =	wrdreg s25;
	s25 =	simm.s32 $0x3  }
.LBB2_3:
0x13: {  	_ =	swait.ge [sflag:s0], $0x2000  }
0x14: {  	[sflag:s0] =	ssyncset.done $0x0  }
0x15: {  	[sflag:s0] =	ssyncadd.s32 $0xFFFFE000  }
0x16: {  	_ =	swait.ge [sflag:s11], $0x2000  }
0x17: {  	[sflag:s11] =	ssyncset.done $0x0  }
0x18: {  	[sflag:s11] =	ssyncadd.s32 $0xFFFFE000  }
0x19: {  	_ =	swait.ge [sflag:s13], $0x2000  }
0x1a: {  	[sflag:s13] =	ssyncset.done $0x0  }
0x1b: {  	[sflag:s13] =	ssyncadd.s32 $0xFFFFE000  }
0x1c: {  	_ =	swait.ge [sflag:s15], $0x2000  }
0x1d: {  	[sflag:s15] =	ssyncset.done $0x0  }
0x1e: {  	[sflag:s15] =	ssyncadd.s32 $0xFFFFE000  }
0x1f: {  	_ =	swait.ge [sflag:s17], $0x2000  }
0x20: {  	[sflag:s17] =	ssyncset.done $0x0  }
0x21: {  	[sflag:s17] =	ssyncadd.s32 $0xFFFFE000  }
0x22: {  	_ =	swait.ge [sflag:s19], $0x2000  }
0x23: {  	[sflag:s19] =	ssyncset.done $0x0  }
0x24: {  	[sflag:s19] =	ssyncadd.s32 $0xFFFFE000  }
0x25: {  	_ =	swait.ge [sflag:s21], $0x2000  }
0x26: {  	[sflag:s21] =	ssyncset.done $0x0  }
0x27: {  	[sflag:s21] =	ssyncadd.s32 $0xFFFFE000  }
.LBB2_5:
0x28: {  	s5 =	rddreg [dreg:$0x6]  }
0x29: {  	s4 =	rddreg [dreg:$0x4];
	s5 =	sadd.s32 $0x1, s5  }
0x2a: {  	p0 =	sne.s32 s5, s4  }
.Ltmp1:
0x2b: {  	_ = 	snop;
	(pc) =	sbr.rel @!p0 .LBB2_6-.Ltmp1, $1  }
0x2c: {  	_ =	sdelay $0x3  }
.LBB2_1:
0x2d: {  	[dreg:$0x6] =	wrdreg s5  }
0x2e: {  	s4 =	rddreg [dreg:$0x3];
	s7 =	simm.s32 $0x11  }
0x2f: {  	[tilespmem:s2], [sflag:$0x11] =	stream.linear.gather [hbm4b:s4+s2], $0x6400, $0x38;
	[tilespmem:$0x16400] =	vst v63  }
0x30: {  	_ =	swait.ge [sflag:s7], $0x6400  }
0x31: {  	[sflag:s7] =	ssyncset.done $0x0  }
0x32: {  	[sflag:s7] =	ssyncadd.s32 $0xFFFF9C00  }
0x33: {  	[tilespmem:s9], [sflag:$0x1] =	stream.indirect.gather [hbm4b:s3+s8], $0x40, s2, s8, $0xb8;
	[tilespmem:$0x16400] =	vst v63  }
0x34: {  	_ = 	snop  }
0x35: {  	[tilespmem:s10], [sflag:$0x2] =	stream.indirect.gather [hbm4b:s3+s8], $0x40, s8, s8, $0xb8;
	[tilespmem:$0x16400] =	vst v63  }
0x36: {  	s5 =	simm.s32 $0x100  }
0x37: {  	[tilespmem:s12], [sflag:$0x3] =	stream.indirect.gather [hbm4b:s3+s8], $0x40, s5, s8, $0xb8;
	[tilespmem:$0x16400] =	vst v63  }
0x38: {  	s6 =	simm.s32 $0x180  }
0x39: {  	[tilespmem:s14], [sflag:$0x4] =	stream.indirect.gather [hbm4b:s3+s8], $0x40, s6, s8, $0xb8;
	[tilespmem:$0x16400] =	vst v63  }
0x3a: {  	s7 =	simm.s32 $0x200  }
0x3b: {  	[tilespmem:s16], [sflag:$0x5] =	stream.indirect.gather [hbm4b:s3+s8], $0x40, s7, s8, $0xb8;
	[tilespmem:$0x16400] =	vst v63  }
0x3c: {  	s5 =	simm.s32 $0x280  }
0x3d: {  	[tilespmem:s18], [sflag:$0x6] =	stream.indirect.gather [hbm4b:s3+s8], $0x40, s5, s8, $0xb8;
	[tilespmem:$0x16400] =	vst v63  }
0x3e: {  	s6 =	simm.s32 $0x300  }
0x3f: {  	[tilespmem:s20], [sflag:$0x7] =	stream.indirect.gather [hbm4b:s3+s8], $0x40, s6, s8, $0xb8;
	[tilespmem:$0x16400] =	vst v63  }
0x40: {  	s7 =	simm.s32 $0x380;
	s5 =	simm.s32 $0x0;
	s6 =	rddreg [dreg:$0x5]  }
0x41: {  	[tilespmem:s22], [sflag:$0x8] =	stream.indirect.gather [hbm4b:s3+s8], $0x40, s7, s8, $0xb8;
	[tilespmem:$0x16400] =	vst v63  }
.LBB2_2:
0x42: {  	_ =	swait.ge [sflag:s23], $0x2000  }
0x43: {  	[sflag:s23] =	ssyncset.done $0x0  }
0x44: {  	[sflag:s23] =	ssyncadd.s32 $0xFFFFE000  }
0x45: {  	[hbm4b:s6+s2] =	stream.linear.scatter [tilespmem:s9], [sflag:$0x9], $0x2000, $0x38;
	[tilespmem:$0x16400] =	vst v63  }
0x46: {  	_ =	swait.ge [sflag:s24], $0x2000  }
0x47: {  	[sflag:s24] =	ssyncset.done $0x0  }
0x48: {  	s7 =	sadd.s32 $0x400, s6;
	[sflag:s24] =	ssyncadd.s32 $0xFFFFE000  }
0x49: {  	[hbm4b:s7+s2] =	stream.linear.scatter [tilespmem:s10], [sflag:$0xA], $0x2000, $0x38;
	[tilespmem:$0x16400] =	vst v63  }
0x4a: {  	_ =	swait.ge [sflag:s25], $0x2000  }
0x4b: {  	[sflag:s25] =	ssyncset.done $0x0  }
0x4c: {  	s4 =	sadd.s32 $0x800, s6;
	[sflag:s25] =	ssyncadd.s32 $0xFFFFE000  }
0x4d: {  	[hbm4b:s4+s2] =	stream.linear.scatter [tilespmem:s12], [sflag:$0xB], $0x2000, $0x38;
	[tilespmem:$0x16400] =	vst v63  }
0x4e: {  	_ =	swait.ge [sflag:s26], $0x2000  }
0x4f: {  	[sflag:s26] =	ssyncset.done $0x0  }
0x50: {  	s4 =	sadd.s32 $0xC00, s6;
	[sflag:s26] =	ssyncadd.s32 $0xFFFFE000  }
0x51: {  	[hbm4b:s4+s2] =	stream.linear.scatter [tilespmem:s14], [sflag:$0xC], $0x2000, $0x38;
	[tilespmem:$0x16400] =	vst v63  }
0x52: {  	_ =	swait.ge [sflag:s28], $0x2000  }
0x53: {  	[sflag:s28] =	ssyncset.done $0x0  }
0x54: {  	s4 =	sadd.s32 $0x1000, s6;
	[sflag:s28] =	ssyncadd.s32 $0xFFFFE000  }
0x55: {  	[hbm4b:s4+s2] =	stream.linear.scatter [tilespmem:s16], [sflag:$0xD], $0x2000, $0x38;
	[tilespmem:$0x16400] =	vst v63  }
0x56: {  	_ =	swait.ge [sflag:s29], $0x2000  }
0x57: {  	[sflag:s29] =	ssyncset.done $0x0  }
0x58: {  	s4 =	sadd.s32 $0x1400, s6;
	[sflag:s29] =	ssyncadd.s32 $0xFFFFE000  }
0x59: {  	[hbm4b:s4+s2] =	stream.linear.scatter [tilespmem:s18], [sflag:$0xE], $0x2000, $0x38;
	[tilespmem:$0x16400] =	vst v63  }
0x5a: {  	_ =	swait.ge [sflag:s30], $0x2000  }
0x5b: {  	[sflag:s30] =	ssyncset.done $0x0  }
0x5c: {  	s4 =	sadd.s32 $0x1800, s6;
	[sflag:s30] =	ssyncadd.s32 $0xFFFFE000  }
0x5d: {  	[hbm4b:s4+s2] =	stream.linear.scatter [tilespmem:s20], [sflag:$0xF], $0x2000, $0x38;
	[tilespmem:$0x16400] =	vst v63  }
0x5e: {  	_ =	swait.ge [sflag:s31], $0x2000  }
0x5f: {  	p0 =	sne.s32 s5, $0x18000;
	[sflag:s31] =	ssyncset.done $0x0  }
.Ltmp2:
0x60: {  	s4 =	sadd.s32 $0x1C00, s6;
	[sflag:s31] =	ssyncadd.s32 $0xFFFFE000;
	(pc) =	sbr.rel @!p0 .LBB2_3-.Ltmp2, $4  }
0x61: {  	[hbm4b:s4+s2] =	stream.linear.scatter [tilespmem:s22], [sflag:$0x10], $0x2000, $0x38;
	[tilespmem:$0x16400] =	vst v63  }
0x62: {  	_ =	swait.ge [sflag:s1], $0x2000  }
0x63: {  	[sflag:s1] =	ssyncset.done $0x0  }
0x64: {  	[sflag:s1] =	ssyncadd.s32 $0xFFFFE000  }
0x65: {  	s7 =	sshra.s32 s5, $0x2  }
0x66: {  	s4 =	sadd.s32 $0x400, s7  }
0x67: {  	[tilespmem:s9], [sflag:$0x1] =	stream.indirect.gather [hbm4b:s3+s8], $0x40, s4, s8, $0xb8;
	[tilespmem:$0x16400] =	vst v63  }
0x68: {  	_ =	swait.ge [sflag:s0], $0x2000  }
0x69: {  	[sflag:s0] =	ssyncset.done $0x0  }
0x6a: {  	s4 =	sadd.s32 $0x480, s7;
	[sflag:s0] =	ssyncadd.s32 $0xFFFFE000  }
0x6b: {  	[tilespmem:s10], [sflag:$0x2] =	stream.indirect.gather [hbm4b:s3+s8], $0x40, s4, s8, $0xb8;
	[tilespmem:$0x16400] =	vst v63  }
0x6c: {  	_ =	swait.ge [sflag:s11], $0x2000  }
0x6d: {  	[sflag:s11] =	ssyncset.done $0x0  }
0x6e: {  	s4 =	sadd.s32 $0x500, s7;
	[sflag:s11] =	ssyncadd.s32 $0xFFFFE000  }
0x6f: {  	[tilespmem:s12], [sflag:$0x3] =	stream.indirect.gather [hbm4b:s3+s8], $0x40, s4, s8, $0xb8;
	[tilespmem:$0x16400] =	vst v63  }
0x70: {  	_ =	swait.ge [sflag:s13], $0x2000  }
0x71: {  	[sflag:s13] =	ssyncset.done $0x0  }
0x72: {  	s4 =	sadd.s32 $0x580, s7;
	[sflag:s13] =	ssyncadd.s32 $0xFFFFE000  }
0x73: {  	[tilespmem:s14], [sflag:$0x4] =	stream.indirect.gather [hbm4b:s3+s8], $0x40, s4, s8, $0xb8;
	[tilespmem:$0x16400] =	vst v63  }
0x74: {  	_ =	swait.ge [sflag:s15], $0x2000  }
0x75: {  	[sflag:s15] =	ssyncset.done $0x0  }
0x76: {  	s4 =	sadd.s32 $0x600, s7;
	[sflag:s15] =	ssyncadd.s32 $0xFFFFE000  }
0x77: {  	[tilespmem:s16], [sflag:$0x5] =	stream.indirect.gather [hbm4b:s3+s8], $0x40, s4, s8, $0xb8;
	[tilespmem:$0x16400] =	vst v63  }
0x78: {  	_ =	swait.ge [sflag:s17], $0x2000  }
0x79: {  	[sflag:s17] =	ssyncset.done $0x0  }
0x7a: {  	s4 =	sadd.s32 $0x680, s7;
	[sflag:s17] =	ssyncadd.s32 $0xFFFFE000  }
0x7b: {  	[tilespmem:s18], [sflag:$0x6] =	stream.indirect.gather [hbm4b:s3+s8], $0x40, s4, s8, $0xb8;
	[tilespmem:$0x16400] =	vst v63  }
0x7c: {  	_ =	swait.ge [sflag:s19], $0x2000  }
0x7d: {  	s5 =	sadd.s32 $0x1000, s5;
	[sflag:s19] =	ssyncset.done $0x0  }
0x7e: {  	p0 =	sne.s32 s5, $0x19000;
	s4 =	sadd.s32 $0x700, s7;
	[sflag:s19] =	ssyncadd.s32 $0xFFFFE000  }
0x7f: {  	[tilespmem:s20], [sflag:$0x7] =	stream.indirect.gather [hbm4b:s3+s8], $0x40, s4, s8, $0xb8;
	[tilespmem:$0x16400] =	vst v63  }
.Ltmp3:
0x80: {  	_ = 	snop;
	(pc) =	sbr.rel @p0 .LBB2_2-.Ltmp3, $4  }
.Ltmp4:
0x81: {  	_ =	swait.ge [sflag:s21], $0x2000;
	(pc) =	sbr.rel @!p0 .LBB2_5-.Ltmp4, $4  }
0x82: {  	[sflag:s21] =	ssyncset.done $0x0  }
0x83: {  	s6 =	sadd.s32 $0x2000, s6;
	s7 =	sadd.s32 $0x780, s7;
	[sflag:s21] =	ssyncadd.s32 $0xFFFFE000  }
0x84: {  	[tilespmem:s22], [sflag:$0x8] =	stream.indirect.gather [hbm4b:s3+s8], $0x40, s7, s8, $0xb8;
	[tilespmem:$0x16400] =	vst v63  }
0x85: {  	_ = 	snop  }
.LBB2_6:
0x86: {  	_ =	sfence.sel $0x180000  }
0x87: {  	[bflag:$0x0] =	sbarrier.arrive $0xFFFF  }
0x88: {  	_ =	strace $0x90000047  }
0x89: {  	s0 =	stileid.u32;
	[bflag:$0x2] =	sbarrier.arrive $0xFFFF  }
0x8a: {  	p0 =	sne.s32 s0, $0x0;
	s0 =	rddreg [dreg:$0x2]  }
0x8b: {  	s0 =	sadd.s32 @!p0 $0x100000, s0  }
0x8c: {  	[sflag:s0] =	ssyncadd.tile.s32 @!p0 $0x1;
	_ =	shalt  }
.Lfunc_end2:
_tile_overlayer_lowered:
.L_overlay_start_2:
0x8d: {  	(tag) =	ssettag $0x2  }
0x8e: {  	s0 =	rddreg [dreg:$0x0];
	s2 =	stileid.u32  }
0x8f: {  	s1 =	rddreg [dreg:$0x1];
	p0 =	sne.s32 s2, $0x0  }
0x90: {  	s3 =	rddreg [dreg:$0x2];
	[bflag:$0x3] =	sbarrier.arrive $0xFFFF;
	s2 =	simm.s32 @!p0 $0x1C11  }
0x91: {  	[timem:s3], [sflag:s2] =	dma.local @!p0 [hbm:s0], s1  }
0x92: {  	s0 =	simm.s32 @!p0 $0x11  }
0x93: {  	_ =	swait.ge @!p0 [sflag:s0], s1  }
0x94: {  	s1 =	ssub.s32 @!p0 $0x0, s1;
	[sflag:s0] =	ssyncset.done @!p0 $0x0  }
0x95: {  	[sflag:s0] =	ssyncadd.s32 @!p0 s1  }
0x96: {  	[bflag:$0x3] =	sbarrier.arrive $0xFFFF  }
0x97: {  	_ =	shalt  }

// kernel: sparse-core-data-format-call.cloned.1.call-start
scs
called_computation_lowered:
.L_overlay_start_0:
0x0: {  	s2 =	sld [smem:$0x3FD9]  }
0x1: {  	s3 =	sld [smem:$0x3FFE];
	_ =	sdelay $0x1  }
0x2: {  	s1 =	srdreg.scid  }
0x3: {  	s0 =	sand.u32 $0x1, s1  }
0x4: {  	s18 =	sshll.u32 s0, $0xA;
	s2 =	sadd.s32 s3, s2  }
0x5: {  	s2 =	sadd.s32 s2, s18  }
0x6: {  	[smem:$0x3FC6] =	sst s2  }
0x7: {  	_ = 	snop  }
0x8: {  	s2 =	sld [smem:$0x3FD0];
	(tm) =	ssettm $0x1  }
0x9: {  	s19 =	sld [smem:$0x3FFB];
	_ =	sdelay $0x3  }
0xa: {  	_ =	strace s19  }
0xb: {  	s3 =	sld [smem:$0x3FFC];
	_ =	sdelay $0x3  }
0xc: {  	_ =	strace s3  }
0xd: {  	s3 =	sld [smem:$0x3FFD];
	_ =	sdelay $0x3  }
0xe: {  	_ =	strace s3  }
0xf: {  	_ =	strace $0x8FFFFFFF  }
0x10: {  	s20 =	sld [smem:$0x3FDB];
	_ =	sdelay $0x1  }
0x11: {  	s4 =	simm.s32 $_scs_section_size  }
0x12: {  	s5 =	simm.s32 $_size__tile_overlayer_lowered;
	s6 =	simm.s32 $_tile_overlayer_lowered  }
0x13: {  	s23 =	simm.s32 $0x1BFF;
	s22 =	sshll.u32 s6, $0x1;
	s3 =	sadd.s32 s4, s20  }
0x14: {  	s7 =	simm.s32 $0x0;
	s21 =	sshll.u32 s5, $0x1;
	s5 =	sadd.s32 s22, s3  }
0x15: {  	[timem:s7], [sflag:s23] =	dma.local [hbm:s5], s21  }
0x16: {  	_ =	swait.ge [sflag:s23], s21  }
0x17: {  	s4 =	ssub.s32 $0x0, s21;
	[sflag:s23] =	ssyncset.done $0x0  }
0x18: {  	[sflag:s23] =	ssyncadd.s32 s4;
	_ =	sdelay $0x1  }
0x19: {  	s24 =	simm.s32 $0x1B8B  }
0x1a: {  	_ =	swait.ge [sflag:s24], $0x1  }
0x1b: {  	[sflag:s24] =	ssyncset.done $0x0  }
0x1c: {  	s26 =	simm.s32 $0x1B8E;
	s25 =	sld [smem:$0x3FFE];
	[sflag:s24] =	ssyncadd.s32 $0xFFFFFFFF  }
0x1d: {  	s27 =	simm.s32 $execute0_lowered;
	[smem:$0x3FD2] =	sst s26  }
0x1e: {  	s5 =	sshll.u32 s27, $0x1;
	_ =	strace $0x80000049;
	[dreg:$0x1] =	wrdreg $0xFFFFFFFF  }
0x1f: {  	s28 =	simm.s32 $_size_execute0_lowered;
	s3 =	sadd.s32 s3, s5;
	[dreg:$0x0] =	wrdreg $0x0  }
0x20: {  	s5 =	sshll.u32 s28, $0x1;
	[dreg:$0x2] =	wrdreg s3  }
0x21: {  	[dreg:$0x3] =	wrdreg s5  }
0x22: {  	[dreg:$0x4] =	wrdreg $0xC0  }
0x23: {  	_ =	task [dreg:s7], $0x5FFFF  }
0x24: {  	[dreg:$0x1] =	wrdreg $0xFFFFFFFF  }
0x25: {  	[dreg:$0x0] =	wrdreg $0x60  }
0x26: {  	[dreg:$0x2] =	wrdreg s25  }
0x27: {  	[dreg:$0x3] =	wrdreg s2  }
0x28: {  	[dreg:$0x4] =	wrdreg $0x9  }
0x29: {  	_ =	task.clear_ibuf [dreg:s7], $0x5FFFF;
	_ =	strace $0x90000049  }
0x2a: {  	s29 =	simm.s32 $0x9;
	_ =	strace $0x8000004B  }
0x2b: {  	_ =	swait.ge [sflag:s29], $0x1  }
0x2c: {  	[sflag:s29] =	ssyncadd.s32 $0xFFFFFFFF  }
0x2d: {  	_ =	strace $0x9000004B  }
0x2e: {  	_ =	sfence  }
0x2f: {  	s30 =	sld [smem:$0x0];
	_ =	sdelay $0x2  }
0x30: {  	s31 =	sshll.u32 s1, $0xD;
	s1 =	sshrl.u32 s1, $0x2  }
0x31: {  	s3 =	sand.u32 $0x4000, s31;
	s1 =	sadd.s32 s1, s30  }
0x32: {  	s0 =	sor.u32 s3, s0;
	s1 =	sshll.u32 s1, $0x11  }
0x33: {  	s0 =	sor.u32 s1, s0  }
0x34: {  	s0 =	sadd.s32 $0x8F2B, s0  }
0x35: {  	[sflag:s0] =	ssyncadd.remote.s32 $0x1  }
0x36: {  	_ =	sfence.sel $0xFFFF  }
0x37: {  	[dreg:$0x0] =	wrdreg $0xFFFFFFFF;
	(pc) =	sbr.abs _section_cstart, $3  }
0x38: {  	[dreg:$0x1] =	wrdreg $0xFFFFFFFF  }
0x39: {  	_ =	task.clear_ibuf [dreg:s7], $0x2FFFF;
	_ =	strace $0x9FFFFFFF  }
0x3a: {  	(tm) =	ssettm $0x7FFFFFFF  }
0x3b: {  	_ =	shalt  }
tec
execute0_lowered:
.L_overlay_start_1:
0x0: {  	(tag) =	ssettag $0x1  }
0x1: {  	s0 =	srdreg.scid  }
0x2: {  	s1 =	sshll.u32 s0, $0x4  }
0x3: {  	s0 =	stileid.u32;
	s1 =	sand.u32 $0x10, s1  }
0x4: {  	s1 =	sor.u32 s0, s1  }
0x5: {  	s6 =	rddreg [dreg:$0x0];
	s4 =	simm.s32 $0x1;
	s2 =	sshll.u32 s1, $0x7  }
0x6: {  	s7 =	simm.s32 $0x2;
	s12 =	simm.s32 $0x0;
	s1 =	ssub.s32 $0x4000, s2  }
0x7: {  	s8 =	simm.s32 $0x20000;
	s13 =	simm.s32 $0x0;
	s3 =	sand.u32 $0xF80, s1  }
0x8: {  	s9 =	simm.s32 $0x0;
	s5 =	sshrl.u32 s1, $0xC;
	p0 =	sne.s32 s3, $0x0  }
.Ltmp0:
0x9: {  	s1 =	rddreg [dreg:$0x2];
	s4 =	simm.s32 @!p0 $0x0;
	(pc) =	sbr.rel .LBB1_1-.Ltmp0, $4  }
0xa: {  	s11 =	simm.s32 $0x0;
	s3 =	rddreg [dreg:$0x1];
	s5 =	sadd.s32 s4, s5  }
0xb: {  	_ =	strace $0x8000004A;
	s4 =	simm.s32 $0x1;
	s5 =	smul.u32 $0x32, s5  }
0xc: {  	s6 =	sadd.s32 $0xA00, s6;
	s10 =	smov.u32 s2;
	[sflag:s4] =	ssyncpa.u1 $0x0  }
0xd: {  	p0 =	por $0x0, $0x0;
	[sflag:s7] =	ssyncpa.u1 $0x0;
	s7 =	sor.u32 $0x1, s5  }
.LBB1_4:
0xe: {  	s16 =	sshll.u32 s13, $0x3;
	s17 =	sand.u32 $0x78, s13  }
0xf: {  	s30 =	sand.u32 $0x1F800, s13;
	s12 =	sshll.u32 s12, $0x11;
	s16 =	sand.u32 $0x3C00, s16  }
0x10: {  	[tilespmem:s15+$0x810 ss:$0x81] =	vst.msk $0xffff, v2;
	s31 =	sand.u32 $0x7, s13;
	s16 =	sor.u32 s17, s16;
	s17 =	sadd.s32 s3, s30  }
0x11: {  	[tilespmem:s15+$0x1020 ss:$0x81] =	vst.msk $0xffff, v0;
	s13 =	sshll.u32 s31, $0x12;
	s12 =	sadd.s32 s12, s17;
	s16 =	sshrl.u32 s16, $0x3  }
0x12: {  	[tilespmem:s15+$0x0 ss:$0x81] =	vst.msk $0xffff, v1;
	s13 =	sor.u32 $0x400, s13;
	s12 =	sadd.s32 s16, s12  }
0x13: {  	[hbm4b:s12+s13] =	stream.strided.scatter [tilespmem:s14], [sflag:$0x2], $0x2000, s8, s13, $0x20;
	[tilespmem:$0x8080] =	vst v63  }
.LBB1_5:
0x14: {  	s14 =	sadd.s32 $0x1, s9  }
0x15: {  	s12 =	sadd.s32 $0x1000, s10;
	s16 =	smov.u32 s10;
	p2 =	sgt.s32 s14, $0x31  }
0x16: {  	s16 =	smov.u32 @p2 s12  }
0x17: {  	s14 =	simm.s32 @p2 $0x0;
	p2 =	sgt.s32 s16, $0x3FFF  }
0x18: {  	s16 =	smov.u32 @p2 s2;
	p2 =	sne.s32 s11, s7  }
.Ltmp1:
0x19: {  	p1 =	slt.u32 s11, $0x2;
	(pc) =	sbr.rel @!p2 .LBB1_6-.Ltmp1, $4  }
0x1a: {  	s15 =	simm.s32 @!p1 $0x2  }
0x1b: {  	s13 =	smov.u32 s10;
	p0 =	por !p0, !p0;
	_ =	swait.ge @!p1 [sflag:s15], $0x2000  }
0x1c: {  	s12 =	smov.u32 s9;
	[sflag:s15] =	ssyncset.done @!p1 $0x0;
	s9 =	smov.u32 s14  }
0x1d: {  	s11 =	sadd.s32 $0x1, s11;
	[sflag:s15] =	ssyncadd.s32 @!p1 $0xFFFFE000;
	s10 =	smov.u32 s16  }
.LBB1_1:
0x1e: {  	p1 =	sge.u32 s11, s5  }
0x1f: {  	s14 =	sand.u32 @!p1 $0x1FFFFFF, s9  }
0x20: {  	s15 =	smulhi.u32 @!p1 $0x4924925, s14;
	_ =	sdelay $0x1  }
0x21: {  	s15 =	smul.u32 @!p1 $0x38, s15  }
0x22: {  	s16 =	sxor.u32 @!p1 $0xFFFFFFFF, s11;
	s17 =	smul.u32 @!p1 $0x380, s10  }
0x23: {  	s31 =	sadd.s32 $0xFFFFFFFF, s11;
	s16 =	sshll.u32 @!p1 s16, $0xD;
	s14 =	ssub.s32 @!p1 s14, s15  }
0x24: {  	s15 =	sand.u32 @!p1 $0x2000, s16;
	s16 =	sadd.s32 @!p1 s6, s17;
	s14 =	sshll.u32 @!p1 s14, $0x4  }
0x25: {  	s17 =	simm.s32 @!p1 $0x1C00;
	s14 =	sadd.s32 @!p1 s14, s16;
	s16 =	simm.s32 @!p1 $0x40  }
0x26: {  	[tilespmem:s15], [sflag:$0x1] =	stream.strided.gather @!p1 [hbm4b:s14+s16], $0x2000, s17, s16, $0x38;
	[tilespmem:$0x8080] =	vst v63  }
0x27: {  	p1 =	sge.u32 s31, s5  }
.Ltmp2:
0x28: {  	_ = 	snop;
	(pc) =	sbr.rel @p1 .LBB1_5-.Ltmp2, $1  }
0x29: {  	_ =	sdelay $0x3  }
0x2a: {  	s14 =	simm.s32 $0x1  }
0x2b: {  	_ =	swait.ge [sflag:s4], $0x2000;
	s14 =	simm.s32 @!p0 $0x0  }
0x2c: {  	[sflag:s4] =	ssyncset.done $0x0;
	s15 =	sshll.u32 s14, $0xD  }
0x2d: {  	[sflag:s4] =	ssyncadd.s32 $0xFFFFE000;
	s18 =	sor.u32 $0x20, s15  }
0x2e: {  	s14 =	smul.u32 $0x8100, s14;
	v3 =	vld [tilespmem:s18+$0x10]  }
0x2f: {  	s30 =	sand.u32 $0x1, s11;
	v2 =	vld [tilespmem:s18+$0xFFFFFFF0]  }
0x30: {  	s15 =	smul.u32 $0x8100, s30;
	s14 =	sshrl.u32 s14, $0x2;
	v0 =	vld [tilespmem:s18+$0x0]  }
0x31: {  	v1 =	vld [tilespmem:s18+$0xFFFFFFE0];
	s16 =	sor.u32 $0x4000, s14  }
0x32: {  	s31 =	sshrl.u32 s15, $0x2;
	s15 =	sadd.s32 $0x0, s16  }
0x33: {  	s17 =	simm.s32 $0x4;
	s18 =	sadd.s32 $0x40, s18;
	s14 =	sor.u32 $0x4000, s31;
	[tilespmem:s15+$0x1830 ss:$0x81] =	vst.msk $0xffff, v3  }
.LBB1_3:
0x34: {  	v3 =	vld [tilespmem:s18+$0x10];
	p1 =	sne.s32 s17, $0x1FC;
	[tilespmem:s15+$0x810 ss:$0x81] =	vst.msk $0xffff, v2;
	s19 =	smov.u32 s17;
	s17 =	sadd.s32 $0x4, s17  }
.Ltmp3:
0x35: {  	v2 =	vld [tilespmem:s18+$0xFFFFFFF0];
	[tilespmem:s15+$0x1020 ss:$0x81] =	vst.msk $0xffff, v0;
	(pc) =	sbr.rel @p1 .LBB1_3-.Ltmp3, $4  }
0x36: {  	v0 =	vld [tilespmem:s18+$0x0];
	[tilespmem:s15+$0x0 ss:$0x81] =	vst.msk $0xffff, v1  }
0x37: {  	s15 =	sshra.s32 s19, $0x2;
	v1 =	vld [tilespmem:s18+$0xFFFFFFE0]  }
0x38: {  	s15 =	sadd.s32 s15, s16  }
0x39: {  	s18 =	sadd.s32 $0x40, s18;
	[tilespmem:s15+$0x1830 ss:$0x81] =	vst.msk $0xffff, v3  }
.Ltmp4:
0x3a: {  	_ = 	snop;
	(pc) =	sbr.rel .LBB1_4-.Ltmp4, $1  }
0x3b: {  	_ =	sdelay $0x3  }
.LBB1_6:
0x3c: {  	_ =	sfence.sel $0x180000  }
0x3d: {  	s2 =	simm.s32 $0x1;
	[bflag:$0x0] =	sbarrier.arrive $0xFFFF  }
0x3e: {  	s31 =	simm.s32 $0x2;
	[sflag:s2] =	ssyncpa.u1 $0x1  }
0x3f: {  	[sflag:s31] =	ssyncpa.u1 $0x1  }
0x40: {  	p0 =	sne.s32 s0, $0x0;
	_ =	strace $0x9000004A  }
0x41: {  	s0 =	sadd.s32 @!p0 $0x100000, s1;
	[bflag:$0x2] =	sbarrier.arrive $0xFFFF  }
0x42: {  	[sflag:s0] =	ssyncadd.tile.s32 @!p0 $0x1;
	_ =	shalt  }
.Lfunc_end1:
_tile_overlayer_lowered:
.L_overlay_start_2:
0x43: {  	(tag) =	ssettag $0x2  }
0x44: {  	s0 =	rddreg [dreg:$0x0];
	s2 =	stileid.u32  }
0x45: {  	s1 =	rddreg [dreg:$0x1];
	p0 =	sne.s32 s2, $0x0  }
0x46: {  	s3 =	rddreg [dreg:$0x2];
	[bflag:$0x3] =	sbarrier.arrive $0xFFFF;
	s2 =	simm.s32 @!p0 $0x1C01  }
0x47: {  	[timem:s3], [sflag:s2] =	dma.local @!p0 [hbm:s0], s1  }
0x48: {  	s0 =	simm.s32 @!p0 $0x1  }
0x49: {  	_ =	swait.ge @!p0 [sflag:s0], s1  }
0x4a: {  	s1 =	ssub.s32 @!p0 $0x0, s1;
	[sflag:s0] =	ssyncset.done @!p0 $0x0  }
0x4b: {  	[sflag:s0] =	ssyncadd.s32 @!p0 s1  }
0x4c: {  	[bflag:$0x3] =	sbarrier.arrive $0xFFFF  }
0x4d: {  	_ =	shalt  }

</sc_bundles>
